<compile_context>
chip_gen: v7x
topology: tpu7x:2x2x1
jax: 0.10.2.dev20260603
libtpu: 0.0.44.dev20260713+nightly
codegen_flags: <defaults>
</compile_context>

<pallas_src>
import jax
import jax.numpy as jnp
from jax import lax
from jax.experimental import pallas as pl
from jax.experimental.pallas import tpu as pltpu
from jax.experimental.pallas import tpu_sc as plsc

NC = 2
NS = 16
NW = NC * NS
DEGW = 16
K = 128


def _sc_agg_colsplit(n_acc, d2, nb, k):
  rows_t = n_acc // NS
  mesh = plsc.VectorSubcoreMesh(core_axis_name="c", subcore_axis_name="s")

  out_type = (jax.ShapeDtypeStruct((NC, n_acc, d2), jnp.float32),
              jax.ShapeDtypeStruct((NC, n_acc, DEGW), jnp.float32))
  scratch = [
      pltpu.VMEM((nb, k), jnp.int32),
      pltpu.VMEM((nb, k), jnp.int32),
      pltpu.VMEM((4, k, d2), jnp.float32),
      pltpu.VMEM((k, DEGW), jnp.float32),
      pltpu.VMEM_SHARED((n_acc, d2), jnp.float32),
      pltpu.VMEM_SHARED((n_acc, DEGW), jnp.float32),
  ] + [pltpu.SemaphoreType.DMA] * 10

  def body(table, srcr, dstr, zrow, zdeg, ones_h, psum, pdeg,
           src_v, dst_v, gbuf, ones_v, acc, dacc, *sems):
    c = lax.axis_index("c")
    s = lax.axis_index("s")
    base = s * rows_t
    sem_g = sems[0:4]
    sem_s = sems[4:8]
    sem_d = sems[8:10]

    pltpu.sync_copy(zrow, acc.at[pl.ds(base, rows_t)])
    pltpu.sync_copy(zdeg, dacc.at[pl.ds(base, rows_t)])
    pltpu.sync_copy(ones_h, ones_v)
    pltpu.sync_copy(srcr.at[s], src_v)
    pltpu.sync_copy(dstr.at[s], dst_v)
    off = jnp.zeros((16,), jnp.int32) + c

    @pl.loop(0, nb)
    def _(i):
      for jj in range(k // 16):
        sl = pl.ds(jj * 16, 16)
        src_v[i, sl] = src_v[i, sl] * 2 + off

    plsc.subcore_barrier()

    for j in range(3):
      pltpu.async_copy(table.at[src_v.at[j]], gbuf.at[j], sem_g[j])

    @pl.loop(0, nb, step=4)
    def _(b0):
      for j in range(4):
        b = b0 + j
        pltpu.make_async_copy(table.at[src_v.at[b]], gbuf.at[j],
                              sem_g[j]).wait()
        pltpu.async_copy(gbuf.at[j], acc.at[dst_v.at[b]], sem_s[j],
                         add=True)

        @pl.when(c == j % 2)
        def _():
          jd = j // 2

          @pl.when(b0 > 0)
          def _():
            pltpu.make_async_copy(ones_v, dacc.at[dst_v.at[0]],
                                  sem_d[jd]).wait()

          pltpu.async_copy(ones_v, dacc.at[dst_v.at[b]], sem_d[jd],
                           add=True)

        jn = (j + 3) % 4
        nxt = b + 3

        @pl.when(b > 0)
        def _():
          pltpu.make_async_copy(gbuf.at[jn], acc.at[dst_v.at[0]],
                                sem_s[jn]).wait()

        @pl.when(nxt < nb)
        def _():
          pltpu.async_copy(table.at[src_v.at[nxt]], gbuf.at[jn],
                           sem_g[jn])

    pltpu.make_async_copy(gbuf.at[3], acc.at[dst_v.at[0]], sem_s[3]).wait()
    for jd in range(2):
      pltpu.make_async_copy(ones_v, dacc.at[dst_v.at[0]],
                            sem_d[jd]).wait()
    plsc.subcore_barrier()
    pltpu.sync_copy(acc.at[pl.ds(base, rows_t)],
                    psum.at[c, pl.ds(base, rows_t)])
    pltpu.sync_copy(dacc.at[pl.ds(base, rows_t)],
                    pdeg.at[c, pl.ds(base, rows_t)])

  return pl.kernel(body, out_type=out_type, mesh=mesh,
                   scratch_types=scratch,
                   compiler_params=pltpu.CompilerParams(
                       use_tc_tiling_on_sc=False))


def _sc_agg_edgesplit(n_acc, d, nb, k):
  rows_t = n_acc // NS
  mesh = plsc.VectorSubcoreMesh(core_axis_name="c", subcore_axis_name="s")

  out_type = jax.ShapeDtypeStruct((NC, n_acc, d), jnp.float32)
  scratch = [
      pltpu.VMEM((nb, k), jnp.int32),
      pltpu.VMEM((nb, k), jnp.int32),
      pltpu.VMEM((4, k, d), jnp.float32),
      pltpu.VMEM_SHARED((n_acc, d), jnp.float32),
  ] + [pltpu.SemaphoreType.DMA] * 8

  def body(table, srcr, dstr, zrow, psum,
           src_v, dst_v, gbuf, acc, *sems):
    c = lax.axis_index("c")
    s = lax.axis_index("s")
    wid = s * NC + c
    base = s * rows_t
    sem_g = sems[0:4]
    sem_s = sems[4:8]

    pltpu.sync_copy(zrow, acc.at[pl.ds(base, rows_t)])
    pltpu.sync_copy(srcr.at[wid], src_v)
    pltpu.sync_copy(dstr.at[wid], dst_v)
    plsc.subcore_barrier()

    for j in range(3):
      pltpu.async_copy(table.at[src_v.at[j]], gbuf.at[j], sem_g[j])

    @pl.loop(0, nb, step=4)
    def _(b0):
      for j in range(4):
        b = b0 + j
        pltpu.make_async_copy(table.at[src_v.at[b]], gbuf.at[j],
                              sem_g[j]).wait()
        pltpu.async_copy(gbuf.at[j], acc.at[dst_v.at[b]], sem_s[j],
                         add=True)
        jn = (j + 3) % 4
        nxt = b + 3

        @pl.when(b > 0)
        def _():
          pltpu.make_async_copy(gbuf.at[jn], acc.at[dst_v.at[0]],
                                sem_s[jn]).wait()

        @pl.when(nxt < nb)
        def _():
          pltpu.async_copy(table.at[src_v.at[nxt]], gbuf.at[jn],
                           sem_g[jn])

    pltpu.make_async_copy(gbuf.at[3], acc.at[dst_v.at[0]], sem_s[3]).wait()
    plsc.subcore_barrier()
    pltpu.sync_copy(acc.at[pl.ds(base, rows_t)],
                    psum.at[c, pl.ds(base, rows_t)])

  return pl.kernel(body, out_type=out_type, mesh=mesh,
                   scratch_types=scratch,
                   compiler_params=pltpu.CompilerParams(
                       use_tc_tiling_on_sc=False))


def _tc_layer0(x, psum, pdeg, w1a, w1b, b1, w2a, w2b, b2, n, n_acc):
  f = x.shape[1]
  o = w2a.shape[1]

  def body(x_ref, ps_ref, pd_ref, w1a_ref, w1b_ref, b1_ref, w2a_ref,
           w2b_ref, b2_ref, q_ref, p_ref):
    deg = pd_ref[0, :n, 0:1] + pd_ref[1, :n, 0:1]
    recip = 1.0 / jnp.maximum(deg, 1.0)
    hn = jnp.concatenate([ps_ref[0, :n, :], ps_ref[1, :n, :]],
                         axis=1) * recip
    h1 = jnp.dot(x_ref[...], w1a_ref[...],
                 preferred_element_type=jnp.float32)
    h1 += jnp.dot(hn, w1b_ref[...], preferred_element_type=jnp.float32)
    h1 = jnp.maximum(h1 + b1_ref[...], 0.0)
    q_ref[...] = jnp.dot(h1, w2a_ref[...],
                         preferred_element_type=jnp.float32) + b2_ref[...]
    p_ref[...] = jnp.dot(h1, w2b_ref[...],
                         preferred_element_type=jnp.float32)

  return pl.pallas_call(
      body,
      out_shape=(jax.ShapeDtypeStruct((n, o), jnp.float32),
                 jax.ShapeDtypeStruct((n, o), jnp.float32)),
  )(x, psum, pdeg, w1a, w1b, b1, w2a, w2b, b2)


def _tc_layer1(q, s2, pdeg, n, n_acc):
  o = q.shape[1]

  def body(q_ref, s2_ref, pd_ref, o_ref):
    deg = pd_ref[0, :n, 0:1] + pd_ref[1, :n, 0:1]
    recip = 1.0 / jnp.maximum(deg, 1.0)
    o_ref[...] = q_ref[...] + (s2_ref[0, :n, :] + s2_ref[1, :n, :]) * recip

  return pl.pallas_call(
      body, out_shape=jax.ShapeDtypeStruct((n, o), jnp.float32),
  )(q, s2, pdeg)


def kernel(x, edge_index, W1, b1, W2, b2):
  n, f = x.shape
  e = edge_index.shape[1]
  h = W1.shape[0]
  o = W2.shape[0]
  f2 = f // NC

  nb1 = -(-e // (NW * K) // 4) * 4
  nb0 = 2 * nb1
  e_pad = nb1 * NW * K
  n_acc = -(-n // (NS * 8)) * (NS * 8)
  if n_acc == n:
    n_acc += NS * 8
  rows_t = n_acc // NS

  src = edge_index[0].astype(jnp.int32)
  dst = edge_index[1].astype(jnp.int32)
  pad_e = e_pad - e
  if pad_e:
    fold = 1
    while fold * 2 <= n_acc - n:
      fold *= 2
    dfill = n + (jnp.arange(pad_e, dtype=jnp.int32) & (fold - 1))
    src = jnp.concatenate([src, src[:pad_e]])
    dst = jnp.concatenate([dst, dfill])
  src0 = src.reshape(NS, nb0, K)
  dst0 = dst.reshape(NS, nb0, K)
  src1 = src.reshape(NW, nb1, K)
  dst1 = dst.reshape(NW, nb1, K)

  zrow_f2 = jnp.zeros((rows_t, f2), jnp.float32)
  zrow_o = jnp.zeros((rows_t, o), jnp.float32)
  zdeg = jnp.zeros((rows_t, DEGW), jnp.float32)
  ones_h = jnp.ones((K, DEGW), jnp.float32)

  x2 = x.reshape(NC * n, f2)

  agg0 = _sc_agg_colsplit(n_acc, f2, nb0, K)
  psum, pdeg = agg0(x2, src0, dst0, zrow_f2, zdeg, ones_h)

  w1a = W1[:, :f].T
  w1b = W1[:, f:].T
  w2a = W2[:, :h].T
  w2b = W2[:, h:].T
  q, p = _tc_layer0(x, psum, pdeg, w1a, w1b, b1.reshape(1, h),
                     w2a, w2b, b2.reshape(1, o), n, n_acc)

  agg1 = _sc_agg_edgesplit(n_acc, o, nb1, K)
  s2 = agg1(p, src1, dst1, zrow_o)

  return _tc_layer1(q, s2, pdeg, n, n_acc)

# --- scband reference (transcript-rebuilt; emitter-appended) ---
"""Pipeline reference for scband-sage-35562329210946 (READ-ONLY COPY).

The authoritative reference and input builder live on the scoring server;
editing this copy changes nothing except your own understanding.
"""

import jax, jax.numpy as jnp
import numpy as np

N_NODES = 10000
N_EDGES = 320000
IN_FEATS = 128
N_HIDDEN = 128
N_CLASSES = 64


def setup_inputs(seed: int = 0) -> dict:
    key = jax.random.key(seed)
    k_x, k_e, k_w1, k_b1, k_w2, k_b2 = jax.random.split(key, 6)
    x = jax.random.normal(k_x, (N_NODES, IN_FEATS), dtype=jnp.float32)
    edge_index = jax.random.randint(k_e, (2, N_EDGES), 0, N_NODES, dtype=jnp.int64)
    # Layer 0: Linear(in_feats*2 -> n_hidden); Layer 1: Linear(n_hidden*2 -> n_classes)
    lim1 = 1.0 / np.sqrt(IN_FEATS * 2)
    W1 = jax.random.uniform(k_w1, (N_HIDDEN, IN_FEATS * 2), dtype=jnp.float32, minval=-lim1, maxval=lim1)
    b1 = jax.random.uniform(k_b1, (N_HIDDEN,), dtype=jnp.float32, minval=-lim1, maxval=lim1)
    lim2 = 1.0 / np.sqrt(N_HIDDEN * 2)
    W2 = jax.random.uniform(k_w2, (N_CLASSES, N_HIDDEN * 2), dtype=jnp.float32, minval=-lim2, maxval=lim2)
    b2 = jax.random.uniform(k_b2, (N_CLASSES,), dtype=jnp.float32, minval=-lim2, maxval=lim2)
    return {"x": x, "edge_index": edge_index, "W1": W1, "b1": b1, "W2": W2, "b2": b2}


def _mean_agg(h, src, dst, n_nodes):
    # copy_u('h','m') then mean('m','h_n'): mean of neighbor features over incoming edges
    msg = jnp.take(h, src, axis=0)
    summed = jax.ops.segment_sum(msg, dst, num_segments=n_nodes)
    deg = jax.ops.segment_sum(jnp.ones((src.shape[0],), dtype=h.dtype), dst, num_segments=n_nodes)
    return summed / jnp.maximum(deg, 1.0)[:, None]


def reference(x, edge_index, W1, b1, W2, b2):
    src = edge_index[0]
    dst = edge_index[1]
    n_nodes = x.shape[0]
    h = x
    # Layer 0: aggregate, concat [h, h_n], linear, relu activation
    h_n = _mean_agg(h, src, dst, n_nodes)
    h = jnp.concatenate([h, h_n], axis=1)
    h = h @ W1.T + b1
    h = jax.nn.relu(h)
    # Layer 1 (last): aggregate, concat, linear, no activation
    h_n = _mean_agg(h, src, dst, n_nodes)
    h = jnp.concatenate([h, h_n], axis=1)
    h = h @ W2.T + b2
    return h

if __name__ == "__main__":
    import jax
    _d = setup_inputs()
    print(jax.jit(kernel)(*tuple(_d.values())))

</pallas_src>

<mosaic_0001>
#map = affine_map<(d0, d1) -> (0, 0)>
#map1 = affine_map<(d0, d1) -> (0, 0, 0)>
module attributes {stable_mosaic.version = 14 : i64} {
  func.func @body(%arg0: i32, %arg1: i32, %arg2: memref<20000x64xf32, #tpu.memory_space<hbm>>, %arg3: memref<16x160x128xi32, #tpu.memory_space<hbm>>, %arg4: memref<16x160x128xi32, #tpu.memory_space<hbm>>, %arg5: memref<632x64xf32, #tpu.memory_space<hbm>>, %arg6: memref<632x16xf32, #tpu.memory_space<hbm>>, %arg7: memref<128x16xf32, #tpu.memory_space<hbm>>, %arg8: memref<2x10112x64xf32, #tpu.memory_space<hbm>>, %arg9: memref<2x10112x16xf32, #tpu.memory_space<hbm>>, %arg10: memref<160x128xi32, #tpu.memory_space<vmem>>, %arg11: memref<160x128xi32, #tpu.memory_space<vmem>>, %arg12: memref<4x128x64xf32, #tpu.memory_space<vmem>>, %arg13: memref<128x16xf32, #tpu.memory_space<vmem>>, %arg14: memref<10112x64xf32, #tpu.memory_space<vmem_shared>>, %arg15: memref<10112x16xf32, #tpu.memory_space<vmem_shared>>, %arg16: memref<!tpu.dma_semaphore, #tpu.memory_space<semaphore_mem>>, %arg17: memref<!tpu.dma_semaphore, #tpu.memory_space<semaphore_mem>>, %arg18: memref<!tpu.dma_semaphore, #tpu.memory_space<semaphore_mem>>, %arg19: memref<!tpu.dma_semaphore, #tpu.memory_space<semaphore_mem>>, %arg20: memref<!tpu.dma_semaphore, #tpu.memory_space<semaphore_mem>>, %arg21: memref<!tpu.dma_semaphore, #tpu.memory_space<semaphore_mem>>, %arg22: memref<!tpu.dma_semaphore, #tpu.memory_space<semaphore_mem>>, %arg23: memref<!tpu.dma_semaphore, #tpu.memory_space<semaphore_mem>>, %arg24: memref<!tpu.dma_semaphore, #tpu.memory_space<semaphore_mem>>, %arg25: memref<!tpu.dma_semaphore, #tpu.memory_space<semaphore_mem>>) attributes {dimension_semantics = [#tpu.dimension_semantics<core_parallel>, #tpu.dimension_semantics<subcore_parallel>], iteration_bounds = array<i64: 2, 16>, scalar_prefetch = 0 : i64, scratch_operands = 16 : i64, tpu.core_type = #tpu.core_type<sc_vector_subcore>, window_params = [{transform_indices = #map}, {transform_indices = #map1}, {transform_indices = #map1}, {transform_indices = #map}, {transform_indices = #map}, {transform_indices = #map}, {transform_indices = #map1}, {transform_indices = #map1}]} {
    %mul3A = arith.constant 632 : i32
    %mul3A_0 = arith.muli %arg1, %mul3A : i32
    "tpu.region"() ({
      %run_scoped3A = tpu.sem_alloc : memref<!tpu.dma_semaphore, #tpu.memory_space<semaphore_mem>>
      %dma_start3A_73 = arith.constant 0 : i32
      %dma_start3A_74 = tpu.memref_slice %arg14[%mul3A_0, %dma_start3A_73] : memref<10112x64xf32, #tpu.memory_space<vmem_shared>> -> memref<632x64xf32, #tpu.memory_space<vmem_shared>>
      tpu.enqueue_dma source(%arg5 : memref<632x64xf32, #tpu.memory_space<hbm>>) target(%dma_start3A_74 : memref<632x64xf32, #tpu.memory_space<vmem_shared>>) target_semaphore(%run_scoped3A : memref<!tpu.dma_semaphore, #tpu.memory_space<semaphore_mem>>)
      %dma_wait3A_75 = arith.constant 0 : i32
      %dma_wait3A_76 = tpu.memref_slice %arg14[%mul3A_0, %dma_wait3A_75] : memref<10112x64xf32, #tpu.memory_space<vmem_shared>> -> memref<632x64xf32, #tpu.memory_space<vmem_shared>>
      tpu.wait_dma2 semaphore(%run_scoped3A : memref<!tpu.dma_semaphore, #tpu.memory_space<semaphore_mem>>) src(%arg5 : memref<632x64xf32, #tpu.memory_space<hbm>>) dst(%dma_wait3A_76 : memref<632x64xf32, #tpu.memory_space<vmem_shared>>)
      tpu.yield
    }) : () -> ()
    "tpu.region"() ({
      %run_scoped3A = tpu.sem_alloc : memref<!tpu.dma_semaphore, #tpu.memory_space<semaphore_mem>>
      %dma_start3A_73 = arith.constant 0 : i32
      %dma_start3A_74 = tpu.memref_slice %arg15[%mul3A_0, %dma_start3A_73] : memref<10112x16xf32, #tpu.memory_space<vmem_shared>> -> memref<632x16xf32, #tpu.memory_space<vmem_shared>>
      tpu.enqueue_dma source(%arg6 : memref<632x16xf32, #tpu.memory_space<hbm>>) target(%dma_start3A_74 : memref<632x16xf32, #tpu.memory_space<vmem_shared>>) target_semaphore(%run_scoped3A : memref<!tpu.dma_semaphore, #tpu.memory_space<semaphore_mem>>)
      %dma_wait3A_75 = arith.constant 0 : i32
      %dma_wait3A_76 = tpu.memref_slice %arg15[%mul3A_0, %dma_wait3A_75] : memref<10112x16xf32, #tpu.memory_space<vmem_shared>> -> memref<632x16xf32, #tpu.memory_space<vmem_shared>>
      tpu.wait_dma2 semaphore(%run_scoped3A : memref<!tpu.dma_semaphore, #tpu.memory_space<semaphore_mem>>) src(%arg6 : memref<632x16xf32, #tpu.memory_space<hbm>>) dst(%dma_wait3A_76 : memref<632x16xf32, #tpu.memory_space<vmem_shared>>)
      tpu.yield
    }) : () -> ()
    "tpu.region"() ({
      %run_scoped3A = tpu.sem_alloc : memref<!tpu.dma_semaphore, #tpu.memory_space<semaphore_mem>>
      tpu.enqueue_dma source(%arg7 : memref<128x16xf32, #tpu.memory_space<hbm>>) target(%arg13 : memref<128x16xf32, #tpu.memory_space<vmem>>) target_semaphore(%run_scoped3A : memref<!tpu.dma_semaphore, #tpu.memory_space<semaphore_mem>>)
      tpu.wait_dma2 semaphore(%run_scoped3A : memref<!tpu.dma_semaphore, #tpu.memory_space<semaphore_mem>>) src(%arg7 : memref<128x16xf32, #tpu.memory_space<hbm>>) dst(%arg13 : memref<128x16xf32, #tpu.memory_space<vmem>>)
      tpu.yield
    }) : () -> ()
    "tpu.region"() ({
      %run_scoped3A = tpu.sem_alloc : memref<!tpu.dma_semaphore, #tpu.memory_space<semaphore_mem>>
      %dma_start3A_73 = arith.constant 0 : i32
      %dma_start3A_74 = arith.constant 0 : i32
      %dma_start3A_75 = tpu.memref_slice %arg3[%arg1, %dma_start3A_73, %dma_start3A_74] : memref<16x160x128xi32, #tpu.memory_space<hbm>> -> memref<1x160x128xi32, #tpu.memory_space<hbm>>
      %dma_start3A_76 = tpu.memref_squeeze %dma_start3A_75 : memref<1x160x128xi32, #tpu.memory_space<hbm>> -> memref<160x128xi32, #tpu.memory_space<hbm>>
      %dma_start3A_77 = arith.constant 0 : i32
      %dma_start3A_78 = arith.constant 0 : i32
      %dma_start3A_79 = tpu.memref_slice %arg3[%arg1, %dma_start3A_77, %dma_start3A_78] : memref<16x160x128xi32, #tpu.memory_space<hbm>> -> memref<1x160x128xi32, #tpu.memory_space<hbm>>
      %dma_start3A_80 = tpu.memref_squeeze %dma_start3A_79 : memref<1x160x128xi32, #tpu.memory_space<hbm>> -> memref<160x128xi32, #tpu.memory_space<hbm>>
      tpu.enqueue_dma source(%dma_start3A_80 : memref<160x128xi32, #tpu.memory_space<hbm>>) target(%arg10 : memref<160x128xi32, #tpu.memory_space<vmem>>) target_semaphore(%run_scoped3A : memref<!tpu.dma_semaphore, #tpu.memory_space<semaphore_mem>>)
      %dma_wait3A_81 = arith.constant 0 : i32
      %dma_wait3A_82 = arith.constant 0 : i32
      %dma_wait3A_83 = tpu.memref_slice %arg3[%arg1, %dma_wait3A_81, %dma_wait3A_82] : memref<16x160x128xi32, #tpu.memory_space<hbm>> -> memref<1x160x128xi32, #tpu.memory_space<hbm>>
      %dma_wait3A_84 = tpu.memref_squeeze %dma_wait3A_83 : memref<1x160x128xi32, #tpu.memory_space<hbm>> -> memref<160x128xi32, #tpu.memory_space<hbm>>
      %dma_wait3A_85 = arith.constant 0 : i32
      %dma_wait3A_86 = arith.constant 0 : i32
      %dma_wait3A_87 = tpu.memref_slice %arg3[%arg1, %dma_wait3A_85, %dma_wait3A_86] : memref<16x160x128xi32, #tpu.memory_space<hbm>> -> memref<1x160x128xi32, #tpu.memory_space<hbm>>
      %dma_wait3A_88 = tpu.memref_squeeze %dma_wait3A_87 : memref<1x160x128xi32, #tpu.memory_space<hbm>> -> memref<160x128xi32, #tpu.memory_space<hbm>>
      tpu.wait_dma2 semaphore(%run_scoped3A : memref<!tpu.dma_semaphore, #tpu.memory_space<semaphore_mem>>) src(%dma_wait3A_88 : memref<160x128xi32, #tpu.memory_space<hbm>>) dst(%arg10 : memref<160x128xi32, #tpu.memory_space<vmem>>)
      tpu.yield
    }) : () -> ()
    "tpu.region"() ({
      %run_scoped3A = tpu.sem_alloc : memref<!tpu.dma_semaphore, #tpu.memory_space<semaphore_mem>>
      %dma_start3A_73 = arith.constant 0 : i32
      %dma_start3A_74 = arith.constant 0 : i32
      %dma_start3A_75 = tpu.memref_slice %arg4[%arg1, %dma_start3A_73, %dma_start3A_74] : memref<16x160x128xi32, #tpu.memory_space<hbm>> -> memref<1x160x128xi32, #tpu.memory_space<hbm>>
      %dma_start3A_76 = tpu.memref_squeeze %dma_start3A_75 : memref<1x160x128xi32, #tpu.memory_space<hbm>> -> memref<160x128xi32, #tpu.memory_space<hbm>>
      %dma_start3A_77 = arith.constant 0 : i32
      %dma_start3A_78 = arith.constant 0 : i32
      %dma_start3A_79 = tpu.memref_slice %arg4[%arg1, %dma_start3A_77, %dma_start3A_78] : memref<16x160x128xi32, #tpu.memory_space<hbm>> -> memref<1x160x128xi32, #tpu.memory_space<hbm>>
      %dma_start3A_80 = tpu.memref_squeeze %dma_start3A_79 : memref<1x160x128xi32, #tpu.memory_space<hbm>> -> memref<160x128xi32, #tpu.memory_space<hbm>>
      tpu.enqueue_dma source(%dma_start3A_80 : memref<160x128xi32, #tpu.memory_space<hbm>>) target(%arg11 : memref<160x128xi32, #tpu.memory_space<vmem>>) target_semaphore(%run_scoped3A : memref<!tpu.dma_semaphore, #tpu.memory_space<semaphore_mem>>)
      %dma_wait3A_81 = arith.constant 0 : i32
      %dma_wait3A_82 = arith.constant 0 : i32
      %dma_wait3A_83 = tpu.memref_slice %arg4[%arg1, %dma_wait3A_81, %dma_wait3A_82] : memref<16x160x128xi32, #tpu.memory_space<hbm>> -> memref<1x160x128xi32, #tpu.memory_space<hbm>>
      %dma_wait3A_84 = tpu.memref_squeeze %dma_wait3A_83 : memref<1x160x128xi32, #tpu.memory_space<hbm>> -> memref<160x128xi32, #tpu.memory_space<hbm>>
      %dma_wait3A_85 = arith.constant 0 : i32
      %dma_wait3A_86 = arith.constant 0 : i32
      %dma_wait3A_87 = tpu.memref_slice %arg4[%arg1, %dma_wait3A_85, %dma_wait3A_86] : memref<16x160x128xi32, #tpu.memory_space<hbm>> -> memref<1x160x128xi32, #tpu.memory_space<hbm>>
      %dma_wait3A_88 = tpu.memref_squeeze %dma_wait3A_87 : memref<1x160x128xi32, #tpu.memory_space<hbm>> -> memref<160x128xi32, #tpu.memory_space<hbm>>
      tpu.wait_dma2 semaphore(%run_scoped3A : memref<!tpu.dma_semaphore, #tpu.memory_space<semaphore_mem>>) src(%dma_wait3A_88 : memref<160x128xi32, #tpu.memory_space<hbm>>) dst(%arg11 : memref<160x128xi32, #tpu.memory_space<vmem>>)
      tpu.yield
    }) : () -> ()
    %broadcast_in_dim3A = arith.constant 0 : i32
    %broadcast_in_dim3A_1 = vector.broadcast %broadcast_in_dim3A : i32 to vector<16xi32>
    %add3A = vector.broadcast %arg0 : i32 to vector<16xi32>
    %add3A_2 = arith.addi %broadcast_in_dim3A_1, %add3A : vector<16xi32>
    %scan3A = arith.constant 0 : i32
    %scan3A_3 = arith.constant 160 : i32
    %scan3A_4 = arith.addi %scan3A, %scan3A_3 : i32
    %scan3A_5 = arith.constant 1 : i32
    scf.for %scan3A_73 = %scan3A to %scan3A_4 step %scan3A_5  : i32 {
      %mul3A_74 = arith.constant 1 : i32
      %mul3A_75 = arith.muli %scan3A_73, %mul3A_74 : i32
      %add3A_76 = arith.constant 0 : i32
      %add3A_77 = arith.addi %add3A_76, %mul3A_75 : i32
      %get3A = arith.index_cast %add3A_77 : i32 to index
      %get3A_78 = arith.constant 0 : index
      %get3A_79 = tpu.vector_load %arg10[%get3A, %get3A_78] {strides = array<i32>} : memref<160x128xi32, #tpu.memory_space<vmem>>, vector<1x16xi32>,
      %get3A_80 = vector.shape_cast %get3A_79 : vector<1x16xi32> to vector<16xi32>
      %mul3A_81 = arith.constant 2 : i32
      %mul3A_82 = vector.broadcast %mul3A_81 : i32 to vector<16xi32>
      %mul3A_83 = arith.muli %get3A_80, %mul3A_82 : vector<16xi32>
      %add3A_84 = arith.addi %mul3A_83, %add3A_2 : vector<16xi32>
      %swap3A = arith.index_cast %add3A_77 : i32 to index
      %swap3A_85 = arith.constant 0 : index
      %swap3A_86 = tpu.vector_load %arg10[%swap3A, %swap3A_85] {strides = array<i32>} : memref<160x128xi32, #tpu.memory_space<vmem>>, vector<1x16xi32>,
      %swap3A_87 = vector.shape_cast %swap3A_86 : vector<1x16xi32> to vector<16xi32>
      %swap3A_88 = vector.shape_cast %add3A_84 : vector<16xi32> to vector<1x16xi32>
      tpu.vector_store %arg10[%swap3A, %swap3A_85], %swap3A_88 {strides = array<i32>} : memref<160x128xi32, #tpu.memory_space<vmem>>, vector<1x16xi32>,
      %get3A_89 = arith.index_cast %add3A_77 : i32 to index
      %get3A_90 = arith.constant 16 : index
      %get3A_91 = tpu.vector_load %arg10[%get3A_89, %get3A_90] {strides = array<i32>} : memref<160x128xi32, #tpu.memory_space<vmem>>, vector<1x16xi32>,
      %get3A_92 = vector.shape_cast %get3A_91 : vector<1x16xi32> to vector<16xi32>
      %mul3A_93 = arith.constant 2 : i32
      %mul3A_94 = vector.broadcast %mul3A_93 : i32 to vector<16xi32>
      %mul3A_95 = arith.muli %get3A_92, %mul3A_94 : vector<16xi32>
      %add3A_96 = arith.addi %mul3A_95, %add3A_2 : vector<16xi32>
      %swap3A_97 = arith.index_cast %add3A_77 : i32 to index
      %swap3A_98 = arith.constant 16 : index
      %swap3A_99 = tpu.vector_load %arg10[%swap3A_97, %swap3A_98] {strides = array<i32>} : memref<160x128xi32, #tpu.memory_space<vmem>>, vector<1x16xi32>,
      %swap3A_100 = vector.shape_cast %swap3A_99 : vector<1x16xi32> to vector<16xi32>
      %swap3A_101 = vector.shape_cast %add3A_96 : vector<16xi32> to vector<1x16xi32>
      tpu.vector_store %arg10[%swap3A_97, %swap3A_98], %swap3A_101 {strides = array<i32>} : memref<160x128xi32, #tpu.memory_space<vmem>>, vector<1x16xi32>,
      %get3A_102 = arith.index_cast %add3A_77 : i32 to index
      %get3A_103 = arith.constant 32 : index
      %get3A_104 = tpu.vector_load %arg10[%get3A_102, %get3A_103] {strides = array<i32>} : memref<160x128xi32, #tpu.memory_space<vmem>>, vector<1x16xi32>,
      %get3A_105 = vector.shape_cast %get3A_104 : vector<1x16xi32> to vector<16xi32>
      %mul3A_106 = arith.constant 2 : i32
      %mul3A_107 = vector.broadcast %mul3A_106 : i32 to vector<16xi32>
      %mul3A_108 = arith.muli %get3A_105, %mul3A_107 : vector<16xi32>
      %add3A_109 = arith.addi %mul3A_108, %add3A_2 : vector<16xi32>
      %swap3A_110 = arith.index_cast %add3A_77 : i32 to index
      %swap3A_111 = arith.constant 32 : index
      %swap3A_112 = tpu.vector_load %arg10[%swap3A_110, %swap3A_111] {strides = array<i32>} : memref<160x128xi32, #tpu.memory_space<vmem>>, vector<1x16xi32>,
      %swap3A_113 = vector.shape_cast %swap3A_112 : vector<1x16xi32> to vector<16xi32>
      %swap3A_114 = vector.shape_cast %add3A_109 : vector<16xi32> to vector<1x16xi32>
      tpu.vector_store %arg10[%swap3A_110, %swap3A_111], %swap3A_114 {strides = array<i32>} : memref<160x128xi32, #tpu.memory_space<vmem>>, vector<1x16xi32>,
      %get3A_115 = arith.index_cast %add3A_77 : i32 to index
      %get3A_116 = arith.constant 48 : index
      %get3A_117 = tpu.vector_load %arg10[%get3A_115, %get3A_116] {strides = array<i32>} : memref<160x128xi32, #tpu.memory_space<vmem>>, vector<1x16xi32>,
      %get3A_118 = vector.shape_cast %get3A_117 : vector<1x16xi32> to vector<16xi32>
      %mul3A_119 = arith.constant 2 : i32
      %mul3A_120 = vector.broadcast %mul3A_119 : i32 to vector<16xi32>
      %mul3A_121 = arith.muli %get3A_118, %mul3A_120 : vector<16xi32>
      %add3A_122 = arith.addi %mul3A_121, %add3A_2 : vector<16xi32>
      %swap3A_123 = arith.index_cast %add3A_77 : i32 to index
      %swap3A_124 = arith.constant 48 : index
      %swap3A_125 = tpu.vector_load %arg10[%swap3A_123, %swap3A_124] {strides = array<i32>} : memref<160x128xi32, #tpu.memory_space<vmem>>, vector<1x16xi32>,
      %swap3A_126 = vector.shape_cast %swap3A_125 : vector<1x16xi32> to vector<16xi32>
      %swap3A_127 = vector.shape_cast %add3A_122 : vector<16xi32> to vector<1x16xi32>
      tpu.vector_store %arg10[%swap3A_123, %swap3A_124], %swap3A_127 {strides = array<i32>} : memref<160x128xi32, #tpu.memory_space<vmem>>, vector<1x16xi32>,
      %get3A_128 = arith.index_cast %add3A_77 : i32 to index
      %get3A_129 = arith.constant 64 : index
      %get3A_130 = tpu.vector_load %arg10[%get3A_128, %get3A_129] {strides = array<i32>} : memref<160x128xi32, #tpu.memory_space<vmem>>, vector<1x16xi32>,
      %get3A_131 = vector.shape_cast %get3A_130 : vector<1x16xi32> to vector<16xi32>
      %mul3A_132 = arith.constant 2 : i32
      %mul3A_133 = vector.broadcast %mul3A_132 : i32 to vector<16xi32>
      %mul3A_134 = arith.muli %get3A_131, %mul3A_133 : vector<16xi32>
      %add3A_135 = arith.addi %mul3A_134, %add3A_2 : vector<16xi32>
      %swap3A_136 = arith.index_cast %add3A_77 : i32 to index
      %swap3A_137 = arith.constant 64 : index
      %swap3A_138 = tpu.vector_load %arg10[%swap3A_136, %swap3A_137] {strides = array<i32>} : memref<160x128xi32, #tpu.memory_space<vmem>>, vector<1x16xi32>,
      %swap3A_139 = vector.shape_cast %swap3A_138 : vector<1x16xi32> to vector<16xi32>
      %swap3A_140 = vector.shape_cast %add3A_135 : vector<16xi32> to vector<1x16xi32>
      tpu.vector_store %arg10[%swap3A_136, %swap3A_137], %swap3A_140 {strides = array<i32>} : memref<160x128xi32, #tpu.memory_space<vmem>>, vector<1x16xi32>,
      %get3A_141 = arith.index_cast %add3A_77 : i32 to index
      %get3A_142 = arith.constant 80 : index
      %get3A_143 = tpu.vector_load %arg10[%get3A_141, %get3A_142] {strides = array<i32>} : memref<160x128xi32, #tpu.memory_space<vmem>>, vector<1x16xi32>,
      %get3A_144 = vector.shape_cast %get3A_143 : vector<1x16xi32> to vector<16xi32>
      %mul3A_145 = arith.constant 2 : i32
      %mul3A_146 = vector.broadcast %mul3A_145 : i32 to vector<16xi32>
      %mul3A_147 = arith.muli %get3A_144, %mul3A_146 : vector<16xi32>
      %add3A_148 = arith.addi %mul3A_147, %add3A_2 : vector<16xi32>
      %swap3A_149 = arith.index_cast %add3A_77 : i32 to index
      %swap3A_150 = arith.constant 80 : index
      %swap3A_151 = tpu.vector_load %arg10[%swap3A_149, %swap3A_150] {strides = array<i32>} : memref<160x128xi32, #tpu.memory_space<vmem>>, vector<1x16xi32>,
      %swap3A_152 = vector.shape_cast %swap3A_151 : vector<1x16xi32> to vector<16xi32>
      %swap3A_153 = vector.shape_cast %add3A_148 : vector<16xi32> to vector<1x16xi32>
      tpu.vector_store %arg10[%swap3A_149, %swap3A_150], %swap3A_153 {strides = array<i32>} : memref<160x128xi32, #tpu.memory_space<vmem>>, vector<1x16xi32>,
      %get3A_154 = arith.index_cast %add3A_77 : i32 to index
      %get3A_155 = arith.constant 96 : index
      %get3A_156 = tpu.vector_load %arg10[%get3A_154, %get3A_155] {strides = array<i32>} : memref<160x128xi32, #tpu.memory_space<vmem>>, vector<1x16xi32>,
      %get3A_157 = vector.shape_cast %get3A_156 : vector<1x16xi32> to vector<16xi32>
      %mul3A_158 = arith.constant 2 : i32
      %mul3A_159 = vector.broadcast %mul3A_158 : i32 to vector<16xi32>
      %mul3A_160 = arith.muli %get3A_157, %mul3A_159 : vector<16xi32>
      %add3A_161 = arith.addi %mul3A_160, %add3A_2 : vector<16xi32>
      %swap3A_162 = arith.index_cast %add3A_77 : i32 to index
      %swap3A_163 = arith.constant 96 : index
      %swap3A_164 = tpu.vector_load %arg10[%swap3A_162, %swap3A_163] {strides = array<i32>} : memref<160x128xi32, #tpu.memory_space<vmem>>, vector<1x16xi32>,
      %swap3A_165 = vector.shape_cast %swap3A_164 : vector<1x16xi32> to vector<16xi32>
      %swap3A_166 = vector.shape_cast %add3A_161 : vector<16xi32> to vector<1x16xi32>
      tpu.vector_store %arg10[%swap3A_162, %swap3A_163], %swap3A_166 {strides = array<i32>} : memref<160x128xi32, #tpu.memory_space<vmem>>, vector<1x16xi32>,
      %get3A_167 = arith.index_cast %add3A_77 : i32 to index
      %get3A_168 = arith.constant 112 : index
      %get3A_169 = tpu.vector_load %arg10[%get3A_167, %get3A_168] {strides = array<i32>} : memref<160x128xi32, #tpu.memory_space<vmem>>, vector<1x16xi32>,
      %get3A_170 = vector.shape_cast %get3A_169 : vector<1x16xi32> to vector<16xi32>
      %mul3A_171 = arith.constant 2 : i32
      %mul3A_172 = vector.broadcast %mul3A_171 : i32 to vector<16xi32>
      %mul3A_173 = arith.muli %get3A_170, %mul3A_172 : vector<16xi32>
      %add3A_174 = arith.addi %mul3A_173, %add3A_2 : vector<16xi32>
      %swap3A_175 = arith.index_cast %add3A_77 : i32 to index
      %swap3A_176 = arith.constant 112 : index
      %swap3A_177 = tpu.vector_load %arg10[%swap3A_175, %swap3A_176] {strides = array<i32>} : memref<160x128xi32, #tpu.memory_space<vmem>>, vector<1x16xi32>,
      %swap3A_178 = vector.shape_cast %swap3A_177 : vector<1x16xi32> to vector<16xi32>
      %swap3A_179 = vector.shape_cast %add3A_174 : vector<16xi32> to vector<1x16xi32>
      tpu.vector_store %arg10[%swap3A_175, %swap3A_176], %swap3A_179 {strides = array<i32>} : memref<160x128xi32, #tpu.memory_space<vmem>>, vector<1x16xi32>,
    }
    %scan3A_6 = arith.constant 160 : i32
    %barrier3A = arith.constant 0 : index
    tpu.barrier barrier_id(%barrier3A)
    %dma_start3A = arith.constant 0 : i32
    %dma_start3A_7 = arith.constant 0 : i32
    %dma_start3A_8 = arith.constant 0 : i32
    %dma_start3A_9 = arith.constant 0 : i32
    %dma_start3A_10 = tpu.memref_slice %arg12[%dma_start3A_7, %dma_start3A_8, %dma_start3A_9] : memref<4x128x64xf32, #tpu.memory_space<vmem>> -> memref<1x128x64xf32, #tpu.memory_space<vmem>>
    %dma_start3A_11 = tpu.memref_squeeze %dma_start3A_10 : memref<1x128x64xf32, #tpu.memory_space<vmem>> -> memref<128x64xf32, #tpu.memory_space<vmem>>
    %dma_start3A_12 = arith.constant 0 : i32
    %dma_start3A_13 = tpu.memref_slice %arg10[%dma_start3A, %dma_start3A_12] : memref<160x128xi32, #tpu.memory_space<vmem>> -> memref<1x128xi32, #tpu.memory_space<vmem>>
    %dma_start3A_14 = tpu.memref_squeeze %dma_start3A_13 : memref<1x128xi32, #tpu.memory_space<vmem>> -> memref<128xi32, #tpu.memory_space<vmem>>
    %dma_start3A_15 = arith.constant 0 : i32
    %dma_start3A_16 = arith.constant 0 : i32
    %dma_start3A_17 = tpu.memref_slice %arg2[%dma_start3A_15, %dma_start3A_16] : memref<20000x64xf32, #tpu.memory_space<hbm>> -> memref<20000x64xf32, #tpu.memory_space<hbm>>
    tpu.enqueue_indirect_dma source(%dma_start3A_17 : memref<20000x64xf32, #tpu.memory_space<hbm>>) target(%dma_start3A_11 : memref<128x64xf32, #tpu.memory_space<vmem>>) offsets(%dma_start3A_14 : memref<128xi32, #tpu.memory_space<vmem>>) semaphore(%arg16 : memref<!tpu.dma_semaphore, #tpu.memory_space<semaphore_mem>>)
    %dma_start3A_18 = arith.constant 1 : i32
    %dma_start3A_19 = arith.constant 1 : i32
    %dma_start3A_20 = arith.constant 0 : i32
    %dma_start3A_21 = arith.constant 0 : i32
    %dma_start3A_22 = tpu.memref_slice %arg12[%dma_start3A_19, %dma_start3A_20, %dma_start3A_21] : memref<4x128x64xf32, #tpu.memory_space<vmem>> -> memref<1x128x64xf32, #tpu.memory_space<vmem>>
    %dma_start3A_23 = tpu.memref_squeeze %dma_start3A_22 : memref<1x128x64xf32, #tpu.memory_space<vmem>> -> memref<128x64xf32, #tpu.memory_space<vmem>>
    %dma_start3A_24 = arith.constant 0 : i32
    %dma_start3A_25 = tpu.memref_slice %arg10[%dma_start3A_18, %dma_start3A_24] : memref<160x128xi32, #tpu.memory_space<vmem>> -> memref<1x128xi32, #tpu.memory_space<vmem>>
    %dma_start3A_26 = tpu.memref_squeeze %dma_start3A_25 : memref<1x128xi32, #tpu.memory_space<vmem>> -> memref<128xi32, #tpu.memory_space<vmem>>
    %dma_start3A_27 = arith.constant 0 : i32
    %dma_start3A_28 = arith.constant 0 : i32
    %dma_start3A_29 = tpu.memref_slice %arg2[%dma_start3A_27, %dma_start3A_28] : memref<20000x64xf32, #tpu.memory_space<hbm>> -> memref<20000x64xf32, #tpu.memory_space<hbm>>
    tpu.enqueue_indirect_dma source(%dma_start3A_29 : memref<20000x64xf32, #tpu.memory_space<hbm>>) target(%dma_start3A_23 : memref<128x64xf32, #tpu.memory_space<vmem>>) offsets(%dma_start3A_26 : memref<128xi32, #tpu.memory_space<vmem>>) semaphore(%arg17 : memref<!tpu.dma_semaphore, #tpu.memory_space<semaphore_mem>>)
    %dma_start3A_30 = arith.constant 2 : i32
    %dma_start3A_31 = arith.constant 2 : i32
    %dma_start3A_32 = arith.constant 0 : i32
    %dma_start3A_33 = arith.constant 0 : i32
    %dma_start3A_34 = tpu.memref_slice %arg12[%dma_start3A_31, %dma_start3A_32, %dma_start3A_33] : memref<4x128x64xf32, #tpu.memory_space<vmem>> -> memref<1x128x64xf32, #tpu.memory_space<vmem>>
    %dma_start3A_35 = tpu.memref_squeeze %dma_start3A_34 : memref<1x128x64xf32, #tpu.memory_space<vmem>> -> memref<128x64xf32, #tpu.memory_space<vmem>>
    %dma_start3A_36 = arith.constant 0 : i32
    %dma_start3A_37 = tpu.memref_slice %arg10[%dma_start3A_30, %dma_start3A_36] : memref<160x128xi32, #tpu.memory_space<vmem>> -> memref<1x128xi32, #tpu.memory_space<vmem>>
    %dma_start3A_38 = tpu.memref_squeeze %dma_start3A_37 : memref<1x128xi32, #tpu.memory_space<vmem>> -> memref<128xi32, #tpu.memory_space<vmem>>
    %dma_start3A_39 = arith.constant 0 : i32
    %dma_start3A_40 = arith.constant 0 : i32
    %dma_start3A_41 = tpu.memref_slice %arg2[%dma_start3A_39, %dma_start3A_40] : memref<20000x64xf32, #tpu.memory_space<hbm>> -> memref<20000x64xf32, #tpu.memory_space<hbm>>
    tpu.enqueue_indirect_dma source(%dma_start3A_41 : memref<20000x64xf32, #tpu.memory_space<hbm>>) target(%dma_start3A_35 : memref<128x64xf32, #tpu.memory_space<vmem>>) offsets(%dma_start3A_38 : memref<128xi32, #tpu.memory_space<vmem>>) semaphore(%arg18 : memref<!tpu.dma_semaphore, #tpu.memory_space<semaphore_mem>>)
    %scan3A_42 = arith.constant 0 : i32
    %scan3A_43 = arith.constant 40 : i32
    %scan3A_44 = arith.addi %scan3A_42, %scan3A_43 : i32
    %scan3A_45 = arith.constant 1 : i32
    scf.for %scan3A_73 = %scan3A_42 to %scan3A_44 step %scan3A_45  : i32 {
      %mul3A_74 = arith.constant 4 : i32
      %mul3A_75 = arith.muli %scan3A_73, %mul3A_74 : i32
      %add3A_76 = arith.constant 0 : i32
      %add3A_77 = arith.addi %add3A_76, %mul3A_75 : i32
      %add3A_78 = arith.constant 0 : i32
      %add3A_79 = arith.addi %add3A_77, %add3A_78 : i32
      %dma_wait3A_80 = arith.constant 0 : i32
      %dma_wait3A_81 = arith.constant 0 : i32
      %dma_wait3A_82 = arith.constant 0 : i32
      %dma_wait3A_83 = tpu.memref_slice %arg12[%dma_wait3A_80, %dma_wait3A_81, %dma_wait3A_82] : memref<4x128x64xf32, #tpu.memory_space<vmem>> -> memref<1x128x64xf32, #tpu.memory_space<vmem>>
      %dma_wait3A_84 = tpu.memref_squeeze %dma_wait3A_83 : memref<1x128x64xf32, #tpu.memory_space<vmem>> -> memref<128x64xf32, #tpu.memory_space<vmem>>
      %dma_wait3A_85 = arith.constant 0 : i32
      %dma_wait3A_86 = tpu.memref_slice %arg10[%add3A_79, %dma_wait3A_85] : memref<160x128xi32, #tpu.memory_space<vmem>> -> memref<1x128xi32, #tpu.memory_space<vmem>>
      %dma_wait3A_87 = tpu.memref_squeeze %dma_wait3A_86 : memref<1x128xi32, #tpu.memory_space<vmem>> -> memref<128xi32, #tpu.memory_space<vmem>>
      %dma_wait3A_88 = arith.constant 0 : i32
      %dma_wait3A_89 = arith.constant 0 : i32
      %dma_wait3A_90 = tpu.memref_slice %arg2[%dma_wait3A_88, %dma_wait3A_89] : memref<20000x64xf32, #tpu.memory_space<hbm>> -> memref<20000x64xf32, #tpu.memory_space<hbm>>
      tpu.wait_indirect_dma semaphore(%arg16 : memref<!tpu.dma_semaphore, #tpu.memory_space<semaphore_mem>>) src(%dma_wait3A_90 : memref<20000x64xf32, #tpu.memory_space<hbm>>) dst(%dma_wait3A_84 : memref<128x64xf32, #tpu.memory_space<vmem>>)
      %dma_start3A_91 = arith.constant 0 : i32
      %dma_start3A_92 = arith.constant 0 : i32
      %dma_start3A_93 = arith.constant 0 : i32
      %dma_start3A_94 = tpu.memref_slice %arg12[%dma_start3A_91, %dma_start3A_92, %dma_start3A_93] : memref<4x128x64xf32, #tpu.memory_space<vmem>> -> memref<1x128x64xf32, #tpu.memory_space<vmem>>
      %dma_start3A_95 = tpu.memref_squeeze %dma_start3A_94 : memref<1x128x64xf32, #tpu.memory_space<vmem>> -> memref<128x64xf32, #tpu.memory_space<vmem>>
      %dma_start3A_96 = arith.constant 0 : i32
      %dma_start3A_97 = tpu.memref_slice %arg11[%add3A_79, %dma_start3A_96] : memref<160x128xi32, #tpu.memory_space<vmem>> -> memref<1x128xi32, #tpu.memory_space<vmem>>
      %dma_start3A_98 = tpu.memref_squeeze %dma_start3A_97 : memref<1x128xi32, #tpu.memory_space<vmem>> -> memref<128xi32, #tpu.memory_space<vmem>>
      %dma_start3A_99 = arith.constant 0 : i32
      %dma_start3A_100 = arith.constant 0 : i32
      %dma_start3A_101 = tpu.memref_slice %arg14[%dma_start3A_99, %dma_start3A_100] : memref<10112x64xf32, #tpu.memory_space<vmem_shared>> -> memref<10112x64xf32, #tpu.memory_space<vmem_shared>>
      tpu.enqueue_indirect_dma source(%dma_start3A_95 : memref<128x64xf32, #tpu.memory_space<vmem>>) target(%dma_start3A_101 : memref<10112x64xf32, #tpu.memory_space<vmem_shared>>) offsets(%dma_start3A_98 : memref<128xi32, #tpu.memory_space<vmem>>) semaphore(%arg20 : memref<!tpu.dma_semaphore, #tpu.memory_space<semaphore_mem>>) {add = true}
      %eq3A = arith.constant 0 : i32
      %eq3A_102 = arith.cmpi eq, %arg0, %eq3A : i32
      %convert_element_type3A = arith.extui %eq3A_102 : i1 to i32
      %cond3A = arith.constant 0 : i32
      %cond3A_103 = arith.cmpi ne, %convert_element_type3A, %cond3A : i32
      scf.if %cond3A_103 {
        %gt3A_237 = arith.constant 0 : i32
        %gt3A_238 = arith.cmpi sgt, %add3A_77, %gt3A_237 : i32
        %convert_element_type3A_239 = arith.extui %gt3A_238 : i1 to i32
        %cond3A_240 = arith.constant 0 : i32
        %cond3A_241 = arith.cmpi ne, %convert_element_type3A_239, %cond3A_240 : i32
        scf.if %cond3A_241 {
          %dma_wait3A_248 = arith.constant 0 : i32
          %dma_wait3A_249 = arith.constant 0 : i32
          %dma_wait3A_250 = tpu.memref_slice %arg11[%dma_wait3A_248, %dma_wait3A_249] : memref<160x128xi32, #tpu.memory_space<vmem>> -> memref<1x128xi32, #tpu.memory_space<vmem>>
          %dma_wait3A_251 = tpu.memref_squeeze %dma_wait3A_250 : memref<1x128xi32, #tpu.memory_space<vmem>> -> memref<128xi32, #tpu.memory_space<vmem>>
          %dma_wait3A_252 = arith.constant 0 : i32
          %dma_wait3A_253 = arith.constant 0 : i32
          %dma_wait3A_254 = tpu.memref_slice %arg15[%dma_wait3A_252, %dma_wait3A_253] : memref<10112x16xf32, #tpu.memory_space<vmem_shared>> -> memref<10112x16xf32, #tpu.memory_space<vmem_shared>>
          tpu.wait_indirect_dma semaphore(%arg24 : memref<!tpu.dma_semaphore, #tpu.memory_space<semaphore_mem>>) src(%arg13 : memref<128x16xf32, #tpu.memory_space<vmem>>) dst(%dma_wait3A_254 : memref<10112x16xf32, #tpu.memory_space<vmem_shared>>)
        } else {
        }
        %dma_start3A_242 = arith.constant 0 : i32
        %dma_start3A_243 = tpu.memref_slice %arg11[%add3A_79, %dma_start3A_242] : memref<160x128xi32, #tpu.memory_space<vmem>> -> memref<1x128xi32, #tpu.memory_space<vmem>>
        %dma_start3A_244 = tpu.memref_squeeze %dma_start3A_243 : memref<1x128xi32, #tpu.memory_space<vmem>> -> memref<128xi32, #tpu.memory_space<vmem>>
        %dma_start3A_245 = arith.constant 0 : i32
        %dma_start3A_246 = arith.constant 0 : i32
        %dma_start3A_247 = tpu.memref_slice %arg15[%dma_start3A_245, %dma_start3A_246] : memref<10112x16xf32, #tpu.memory_space<vmem_shared>> -> memref<10112x16xf32, #tpu.memory_space<vmem_shared>>
        tpu.enqueue_indirect_dma source(%arg13 : memref<128x16xf32, #tpu.memory_space<vmem>>) target(%dma_start3A_247 : memref<10112x16xf32, #tpu.memory_space<vmem_shared>>) offsets(%dma_start3A_244 : memref<128xi32, #tpu.memory_space<vmem>>) semaphore(%arg24 : memref<!tpu.dma_semaphore, #tpu.memory_space<semaphore_mem>>) {add = true}
      } else {
      }
      %add3A_104 = arith.constant 3 : i32
      %add3A_105 = arith.addi %add3A_79, %add3A_104 : i32
      %gt3A = arith.constant 0 : i32
      %gt3A_106 = arith.cmpi sgt, %add3A_79, %gt3A : i32
      %convert_element_type3A_107 = arith.extui %gt3A_106 : i1 to i32
      %cond3A_108 = arith.constant 0 : i32
      %cond3A_109 = arith.cmpi ne, %convert_element_type3A_107, %cond3A_108 : i32
      scf.if %cond3A_109 {
        %dma_wait3A_237 = arith.constant 3 : i32
        %dma_wait3A_238 = arith.constant 0 : i32
        %dma_wait3A_239 = arith.constant 0 : i32
        %dma_wait3A_240 = arith.constant 0 : i32
        %dma_wait3A_241 = tpu.memref_slice %arg12[%dma_wait3A_237, %dma_wait3A_239, %dma_wait3A_240] : memref<4x128x64xf32, #tpu.memory_space<vmem>> -> memref<1x128x64xf32, #tpu.memory_space<vmem>>
        %dma_wait3A_242 = tpu.memref_squeeze %dma_wait3A_241 : memref<1x128x64xf32, #tpu.memory_space<vmem>> -> memref<128x64xf32, #tpu.memory_space<vmem>>
        %dma_wait3A_243 = arith.constant 0 : i32
        %dma_wait3A_244 = tpu.memref_slice %arg11[%dma_wait3A_238, %dma_wait3A_243] : memref<160x128xi32, #tpu.memory_space<vmem>> -> memref<1x128xi32, #tpu.memory_space<vmem>>
        %dma_wait3A_245 = tpu.memref_squeeze %dma_wait3A_244 : memref<1x128xi32, #tpu.memory_space<vmem>> -> memref<128xi32, #tpu.memory_space<vmem>>
        %dma_wait3A_246 = arith.constant 0 : i32
        %dma_wait3A_247 = arith.constant 0 : i32
        %dma_wait3A_248 = tpu.memref_slice %arg14[%dma_wait3A_246, %dma_wait3A_247] : memref<10112x64xf32, #tpu.memory_space<vmem_shared>> -> memref<10112x64xf32, #tpu.memory_space<vmem_shared>>
        tpu.wait_indirect_dma semaphore(%arg23 : memref<!tpu.dma_semaphore, #tpu.memory_space<semaphore_mem>>) src(%dma_wait3A_242 : memref<128x64xf32, #tpu.memory_space<vmem>>) dst(%dma_wait3A_248 : memref<10112x64xf32, #tpu.memory_space<vmem_shared>>)
      } else {
      }
      %lt3A = arith.constant 160 : i32
      %lt3A_110 = arith.cmpi slt, %add3A_105, %lt3A : i32
      %convert_element_type3A_111 = arith.extui %lt3A_110 : i1 to i32
      %cond3A_112 = arith.constant 0 : i32
      %cond3A_113 = arith.cmpi ne, %convert_element_type3A_111, %cond3A_112 : i32
      scf.if %cond3A_113 {
        %dma_start3A_237 = arith.constant 3 : i32
        %dma_start3A_238 = arith.constant 0 : i32
        %dma_start3A_239 = arith.constant 0 : i32
        %dma_start3A_240 = tpu.memref_slice %arg12[%dma_start3A_237, %dma_start3A_238, %dma_start3A_239] : memref<4x128x64xf32, #tpu.memory_space<vmem>> -> memref<1x128x64xf32, #tpu.memory_space<vmem>>
        %dma_start3A_241 = tpu.memref_squeeze %dma_start3A_240 : memref<1x128x64xf32, #tpu.memory_space<vmem>> -> memref<128x64xf32, #tpu.memory_space<vmem>>
        %dma_start3A_242 = arith.constant 0 : i32
        %dma_start3A_243 = tpu.memref_slice %arg10[%add3A_105, %dma_start3A_242] : memref<160x128xi32, #tpu.memory_space<vmem>> -> memref<1x128xi32, #tpu.memory_space<vmem>>
        %dma_start3A_244 = tpu.memref_squeeze %dma_start3A_243 : memref<1x128xi32, #tpu.memory_space<vmem>> -> memref<128xi32, #tpu.memory_space<vmem>>
        %dma_start3A_245 = arith.constant 0 : i32
        %dma_start3A_246 = arith.constant 0 : i32
        %dma_start3A_247 = tpu.memref_slice %arg2[%dma_start3A_245, %dma_start3A_246] : memref<20000x64xf32, #tpu.memory_space<hbm>> -> memref<20000x64xf32, #tpu.memory_space<hbm>>
        tpu.enqueue_indirect_dma source(%dma_start3A_247 : memref<20000x64xf32, #tpu.memory_space<hbm>>) target(%dma_start3A_241 : memref<128x64xf32, #tpu.memory_space<vmem>>) offsets(%dma_start3A_244 : memref<128xi32, #tpu.memory_space<vmem>>) semaphore(%arg19 : memref<!tpu.dma_semaphore, #tpu.memory_space<semaphore_mem>>)
      } else {
      }
      %add3A_114 = arith.constant 1 : i32
      %add3A_115 = arith.addi %add3A_77, %add3A_114 : i32
      %dma_wait3A_116 = arith.constant 1 : i32
      %dma_wait3A_117 = arith.constant 0 : i32
      %dma_wait3A_118 = arith.constant 0 : i32
      %dma_wait3A_119 = tpu.memref_slice %arg12[%dma_wait3A_116, %dma_wait3A_117, %dma_wait3A_118] : memref<4x128x64xf32, #tpu.memory_space<vmem>> -> memref<1x128x64xf32, #tpu.memory_space<vmem>>
      %dma_wait3A_120 = tpu.memref_squeeze %dma_wait3A_119 : memref<1x128x64xf32, #tpu.memory_space<vmem>> -> memref<128x64xf32, #tpu.memory_space<vmem>>
      %dma_wait3A_121 = arith.constant 0 : i32
      %dma_wait3A_122 = tpu.memref_slice %arg10[%add3A_115, %dma_wait3A_121] : memref<160x128xi32, #tpu.memory_space<vmem>> -> memref<1x128xi32, #tpu.memory_space<vmem>>
      %dma_wait3A_123 = tpu.memref_squeeze %dma_wait3A_122 : memref<1x128xi32, #tpu.memory_space<vmem>> -> memref<128xi32, #tpu.memory_space<vmem>>
      %dma_wait3A_124 = arith.constant 0 : i32
      %dma_wait3A_125 = arith.constant 0 : i32
      %dma_wait3A_126 = tpu.memref_slice %arg2[%dma_wait3A_124, %dma_wait3A_125] : memref<20000x64xf32, #tpu.memory_space<hbm>> -> memref<20000x64xf32, #tpu.memory_space<hbm>>
      tpu.wait_indirect_dma semaphore(%arg17 : memref<!tpu.dma_semaphore, #tpu.memory_space<semaphore_mem>>) src(%dma_wait3A_126 : memref<20000x64xf32, #tpu.memory_space<hbm>>) dst(%dma_wait3A_120 : memref<128x64xf32, #tpu.memory_space<vmem>>)
      %dma_start3A_127 = arith.constant 1 : i32
      %dma_start3A_128 = arith.constant 0 : i32
      %dma_start3A_129 = arith.constant 0 : i32
      %dma_start3A_130 = tpu.memref_slice %arg12[%dma_start3A_127, %dma_start3A_128, %dma_start3A_129] : memref<4x128x64xf32, #tpu.memory_space<vmem>> -> memref<1x128x64xf32, #tpu.memory_space<vmem>>
      %dma_start3A_131 = tpu.memref_squeeze %dma_start3A_130 : memref<1x128x64xf32, #tpu.memory_space<vmem>> -> memref<128x64xf32, #tpu.memory_space<vmem>>
      %dma_start3A_132 = arith.constant 0 : i32
      %dma_start3A_133 = tpu.memref_slice %arg11[%add3A_115, %dma_start3A_132] : memref<160x128xi32, #tpu.memory_space<vmem>> -> memref<1x128xi32, #tpu.memory_space<vmem>>
      %dma_start3A_134 = tpu.memref_squeeze %dma_start3A_133 : memref<1x128xi32, #tpu.memory_space<vmem>> -> memref<128xi32, #tpu.memory_space<vmem>>
      %dma_start3A_135 = arith.constant 0 : i32
      %dma_start3A_136 = arith.constant 0 : i32
      %dma_start3A_137 = tpu.memref_slice %arg14[%dma_start3A_135, %dma_start3A_136] : memref<10112x64xf32, #tpu.memory_space<vmem_shared>> -> memref<10112x64xf32, #tpu.memory_space<vmem_shared>>
      tpu.enqueue_indirect_dma source(%dma_start3A_131 : memref<128x64xf32, #tpu.memory_space<vmem>>) target(%dma_start3A_137 : memref<10112x64xf32, #tpu.memory_space<vmem_shared>>) offsets(%dma_start3A_134 : memref<128xi32, #tpu.memory_space<vmem>>) semaphore(%arg21 : memref<!tpu.dma_semaphore, #tpu.memory_space<semaphore_mem>>) {add = true}
      %eq3A_138 = arith.constant 1 : i32
      %eq3A_139 = arith.cmpi eq, %arg0, %eq3A_138 : i32
      %convert_element_type3A_140 = arith.extui %eq3A_139 : i1 to i32
      %cond3A_141 = arith.constant 0 : i32
      %cond3A_142 = arith.cmpi ne, %convert_element_type3A_140, %cond3A_141 : i32
      scf.if %cond3A_142 {
        %gt3A_237 = arith.constant 0 : i32
        %gt3A_238 = arith.cmpi sgt, %add3A_77, %gt3A_237 : i32
        %convert_element_type3A_239 = arith.extui %gt3A_238 : i1 to i32
        %cond3A_240 = arith.constant 0 : i32
        %cond3A_241 = arith.cmpi ne, %convert_element_type3A_239, %cond3A_240 : i32
        scf.if %cond3A_241 {
          %dma_wait3A_248 = arith.constant 0 : i32
          %dma_wait3A_249 = arith.constant 0 : i32
          %dma_wait3A_250 = tpu.memref_slice %arg11[%dma_wait3A_248, %dma_wait3A_249] : memref<160x128xi32, #tpu.memory_space<vmem>> -> memref<1x128xi32, #tpu.memory_space<vmem>>
          %dma_wait3A_251 = tpu.memref_squeeze %dma_wait3A_250 : memref<1x128xi32, #tpu.memory_space<vmem>> -> memref<128xi32, #tpu.memory_space<vmem>>
          %dma_wait3A_252 = arith.constant 0 : i32
          %dma_wait3A_253 = arith.constant 0 : i32
          %dma_wait3A_254 = tpu.memref_slice %arg15[%dma_wait3A_252, %dma_wait3A_253] : memref<10112x16xf32, #tpu.memory_space<vmem_shared>> -> memref<10112x16xf32, #tpu.memory_space<vmem_shared>>
          tpu.wait_indirect_dma semaphore(%arg24 : memref<!tpu.dma_semaphore, #tpu.memory_space<semaphore_mem>>) src(%arg13 : memref<128x16xf32, #tpu.memory_space<vmem>>) dst(%dma_wait3A_254 : memref<10112x16xf32, #tpu.memory_space<vmem_shared>>)
        } else {
        }
        %dma_start3A_242 = arith.constant 0 : i32
        %dma_start3A_243 = tpu.memref_slice %arg11[%add3A_115, %dma_start3A_242] : memref<160x128xi32, #tpu.memory_space<vmem>> -> memref<1x128xi32, #tpu.memory_space<vmem>>
        %dma_start3A_244 = tpu.memref_squeeze %dma_start3A_243 : memref<1x128xi32, #tpu.memory_space<vmem>> -> memref<128xi32, #tpu.memory_space<vmem>>
        %dma_start3A_245 = arith.constant 0 : i32
        %dma_start3A_246 = arith.constant 0 : i32
        %dma_start3A_247 = tpu.memref_slice %arg15[%dma_start3A_245, %dma_start3A_246] : memref<10112x16xf32, #tpu.memory_space<vmem_shared>> -> memref<10112x16xf32, #tpu.memory_space<vmem_shared>>
        tpu.enqueue_indirect_dma source(%arg13 : memref<128x16xf32, #tpu.memory_space<vmem>>) target(%dma_start3A_247 : memref<10112x16xf32, #tpu.memory_space<vmem_shared>>) offsets(%dma_start3A_244 : memref<128xi32, #tpu.memory_space<vmem>>) semaphore(%arg24 : memref<!tpu.dma_semaphore, #tpu.memory_space<semaphore_mem>>) {add = true}
      } else {
      }
      %add3A_143 = arith.constant 3 : i32
      %add3A_144 = arith.addi %add3A_115, %add3A_143 : i32
      %gt3A_145 = arith.constant 0 : i32
      %gt3A_146 = arith.cmpi sgt, %add3A_115, %gt3A_145 : i32
      %convert_element_type3A_147 = arith.extui %gt3A_146 : i1 to i32
      %cond3A_148 = arith.constant 0 : i32
      %cond3A_149 = arith.cmpi ne, %convert_element_type3A_147, %cond3A_148 : i32
      scf.if %cond3A_149 {
        %dma_wait3A_237 = arith.constant 0 : i32
        %dma_wait3A_238 = arith.constant 0 : i32
        %dma_wait3A_239 = arith.constant 0 : i32
        %dma_wait3A_240 = arith.constant 0 : i32
        %dma_wait3A_241 = tpu.memref_slice %arg12[%dma_wait3A_237, %dma_wait3A_239, %dma_wait3A_240] : memref<4x128x64xf32, #tpu.memory_space<vmem>> -> memref<1x128x64xf32, #tpu.memory_space<vmem>>
        %dma_wait3A_242 = tpu.memref_squeeze %dma_wait3A_241 : memref<1x128x64xf32, #tpu.memory_space<vmem>> -> memref<128x64xf32, #tpu.memory_space<vmem>>
        %dma_wait3A_243 = arith.constant 0 : i32
        %dma_wait3A_244 = tpu.memref_slice %arg11[%dma_wait3A_238, %dma_wait3A_243] : memref<160x128xi32, #tpu.memory_space<vmem>> -> memref<1x128xi32, #tpu.memory_space<vmem>>
        %dma_wait3A_245 = tpu.memref_squeeze %dma_wait3A_244 : memref<1x128xi32, #tpu.memory_space<vmem>> -> memref<128xi32, #tpu.memory_space<vmem>>
        %dma_wait3A_246 = arith.constant 0 : i32
        %dma_wait3A_247 = arith.constant 0 : i32
        %dma_wait3A_248 = tpu.memref_slice %arg14[%dma_wait3A_246, %dma_wait3A_247] : memref<10112x64xf32, #tpu.memory_space<vmem_shared>> -> memref<10112x64xf32, #tpu.memory_space<vmem_shared>>
        tpu.wait_indirect_dma semaphore(%arg20 : memref<!tpu.dma_semaphore, #tpu.memory_space<semaphore_mem>>) src(%dma_wait3A_242 : memref<128x64xf32, #tpu.memory_space<vmem>>) dst(%dma_wait3A_248 : memref<10112x64xf32, #tpu.memory_space<vmem_shared>>)
      } else {
      }
      %lt3A_150 = arith.constant 160 : i32
      %lt3A_151 = arith.cmpi slt, %add3A_144, %lt3A_150 : i32
      %convert_element_type3A_152 = arith.extui %lt3A_151 : i1 to i32
      %cond3A_153 = arith.constant 0 : i32
      %cond3A_154 = arith.cmpi ne, %convert_element_type3A_152, %cond3A_153 : i32
      scf.if %cond3A_154 {
        %dma_start3A_237 = arith.constant 0 : i32
        %dma_start3A_238 = arith.constant 0 : i32
        %dma_start3A_239 = arith.constant 0 : i32
        %dma_start3A_240 = tpu.memref_slice %arg12[%dma_start3A_237, %dma_start3A_238, %dma_start3A_239] : memref<4x128x64xf32, #tpu.memory_space<vmem>> -> memref<1x128x64xf32, #tpu.memory_space<vmem>>
        %dma_start3A_241 = tpu.memref_squeeze %dma_start3A_240 : memref<1x128x64xf32, #tpu.memory_space<vmem>> -> memref<128x64xf32, #tpu.memory_space<vmem>>
        %dma_start3A_242 = arith.constant 0 : i32
        %dma_start3A_243 = tpu.memref_slice %arg10[%add3A_144, %dma_start3A_242] : memref<160x128xi32, #tpu.memory_space<vmem>> -> memref<1x128xi32, #tpu.memory_space<vmem>>
        %dma_start3A_244 = tpu.memref_squeeze %dma_start3A_243 : memref<1x128xi32, #tpu.memory_space<vmem>> -> memref<128xi32, #tpu.memory_space<vmem>>
        %dma_start3A_245 = arith.constant 0 : i32
        %dma_start3A_246 = arith.constant 0 : i32
        %dma_start3A_247 = tpu.memref_slice %arg2[%dma_start3A_245, %dma_start3A_246] : memref<20000x64xf32, #tpu.memory_space<hbm>> -> memref<20000x64xf32, #tpu.memory_space<hbm>>
        tpu.enqueue_indirect_dma source(%dma_start3A_247 : memref<20000x64xf32, #tpu.memory_space<hbm>>) target(%dma_start3A_241 : memref<128x64xf32, #tpu.memory_space<vmem>>) offsets(%dma_start3A_244 : memref<128xi32, #tpu.memory_space<vmem>>) semaphore(%arg16 : memref<!tpu.dma_semaphore, #tpu.memory_space<semaphore_mem>>)
      } else {
      }
      %add3A_155 = arith.constant 2 : i32
      %add3A_156 = arith.addi %add3A_77, %add3A_155 : i32
      %dma_wait3A_157 = arith.constant 2 : i32
      %dma_wait3A_158 = arith.constant 0 : i32
      %dma_wait3A_159 = arith.constant 0 : i32
      %dma_wait3A_160 = tpu.memref_slice %arg12[%dma_wait3A_157, %dma_wait3A_158, %dma_wait3A_159] : memref<4x128x64xf32, #tpu.memory_space<vmem>> -> memref<1x128x64xf32, #tpu.memory_space<vmem>>
      %dma_wait3A_161 = tpu.memref_squeeze %dma_wait3A_160 : memref<1x128x64xf32, #tpu.memory_space<vmem>> -> memref<128x64xf32, #tpu.memory_space<vmem>>
      %dma_wait3A_162 = arith.constant 0 : i32
      %dma_wait3A_163 = tpu.memref_slice %arg10[%add3A_156, %dma_wait3A_162] : memref<160x128xi32, #tpu.memory_space<vmem>> -> memref<1x128xi32, #tpu.memory_space<vmem>>
      %dma_wait3A_164 = tpu.memref_squeeze %dma_wait3A_163 : memref<1x128xi32, #tpu.memory_space<vmem>> -> memref<128xi32, #tpu.memory_space<vmem>>
      %dma_wait3A_165 = arith.constant 0 : i32
      %dma_wait3A_166 = arith.constant 0 : i32
      %dma_wait3A_167 = tpu.memref_slice %arg2[%dma_wait3A_165, %dma_wait3A_166] : memref<20000x64xf32, #tpu.memory_space<hbm>> -> memref<20000x64xf32, #tpu.memory_space<hbm>>
      tpu.wait_indirect_dma semaphore(%arg18 : memref<!tpu.dma_semaphore, #tpu.memory_space<semaphore_mem>>) src(%dma_wait3A_167 : memref<20000x64xf32, #tpu.memory_space<hbm>>) dst(%dma_wait3A_161 : memref<128x64xf32, #tpu.memory_space<vmem>>)
      %dma_start3A_168 = arith.constant 2 : i32
      %dma_start3A_169 = arith.constant 0 : i32
      %dma_start3A_170 = arith.constant 0 : i32
      %dma_start3A_171 = tpu.memref_slice %arg12[%dma_start3A_168, %dma_start3A_169, %dma_start3A_170] : memref<4x128x64xf32, #tpu.memory_space<vmem>> -> memref<1x128x64xf32, #tpu.memory_space<vmem>>
      %dma_start3A_172 = tpu.memref_squeeze %dma_start3A_171 : memref<1x128x64xf32, #tpu.memory_space<vmem>> -> memref<128x64xf32, #tpu.memory_space<vmem>>
      %dma_start3A_173 = arith.constant 0 : i32
      %dma_start3A_174 = tpu.memref_slice %arg11[%add3A_156, %dma_start3A_173] : memref<160x128xi32, #tpu.memory_space<vmem>> -> memref<1x128xi32, #tpu.memory_space<vmem>>
      %dma_start3A_175 = tpu.memref_squeeze %dma_start3A_174 : memref<1x128xi32, #tpu.memory_space<vmem>> -> memref<128xi32, #tpu.memory_space<vmem>>
      %dma_start3A_176 = arith.constant 0 : i32
      %dma_start3A_177 = arith.constant 0 : i32
      %dma_start3A_178 = tpu.memref_slice %arg14[%dma_start3A_176, %dma_start3A_177] : memref<10112x64xf32, #tpu.memory_space<vmem_shared>> -> memref<10112x64xf32, #tpu.memory_space<vmem_shared>>
      tpu.enqueue_indirect_dma source(%dma_start3A_172 : memref<128x64xf32, #tpu.memory_space<vmem>>) target(%dma_start3A_178 : memref<10112x64xf32, #tpu.memory_space<vmem_shared>>) offsets(%dma_start3A_175 : memref<128xi32, #tpu.memory_space<vmem>>) semaphore(%arg22 : memref<!tpu.dma_semaphore, #tpu.memory_space<semaphore_mem>>) {add = true}
      %eq3A_179 = arith.constant 0 : i32
      %eq3A_180 = arith.cmpi eq, %arg0, %eq3A_179 : i32
      %convert_element_type3A_181 = arith.extui %eq3A_180 : i1 to i32
      %cond3A_182 = arith.constant 0 : i32
      %cond3A_183 = arith.cmpi ne, %convert_element_type3A_181, %cond3A_182 : i32
      scf.if %cond3A_183 {
        %gt3A_237 = arith.constant 0 : i32
        %gt3A_238 = arith.cmpi sgt, %add3A_77, %gt3A_237 : i32
        %convert_element_type3A_239 = arith.extui %gt3A_238 : i1 to i32
        %cond3A_240 = arith.constant 0 : i32
        %cond3A_241 = arith.cmpi ne, %convert_element_type3A_239, %cond3A_240 : i32
        scf.if %cond3A_241 {
          %dma_wait3A_248 = arith.constant 0 : i32
          %dma_wait3A_249 = arith.constant 0 : i32
          %dma_wait3A_250 = tpu.memref_slice %arg11[%dma_wait3A_248, %dma_wait3A_249] : memref<160x128xi32, #tpu.memory_space<vmem>> -> memref<1x128xi32, #tpu.memory_space<vmem>>
          %dma_wait3A_251 = tpu.memref_squeeze %dma_wait3A_250 : memref<1x128xi32, #tpu.memory_space<vmem>> -> memref<128xi32, #tpu.memory_space<vmem>>
          %dma_wait3A_252 = arith.constant 0 : i32
          %dma_wait3A_253 = arith.constant 0 : i32
          %dma_wait3A_254 = tpu.memref_slice %arg15[%dma_wait3A_252, %dma_wait3A_253] : memref<10112x16xf32, #tpu.memory_space<vmem_shared>> -> memref<10112x16xf32, #tpu.memory_space<vmem_shared>>
          tpu.wait_indirect_dma semaphore(%arg25 : memref<!tpu.dma_semaphore, #tpu.memory_space<semaphore_mem>>) src(%arg13 : memref<128x16xf32, #tpu.memory_space<vmem>>) dst(%dma_wait3A_254 : memref<10112x16xf32, #tpu.memory_space<vmem_shared>>)
        } else {
        }
        %dma_start3A_242 = arith.constant 0 : i32
        %dma_start3A_243 = tpu.memref_slice %arg11[%add3A_156, %dma_start3A_242] : memref<160x128xi32, #tpu.memory_space<vmem>> -> memref<1x128xi32, #tpu.memory_space<vmem>>
        %dma_start3A_244 = tpu.memref_squeeze %dma_start3A_243 : memref<1x128xi32, #tpu.memory_space<vmem>> -> memref<128xi32, #tpu.memory_space<vmem>>
        %dma_start3A_245 = arith.constant 0 : i32
        %dma_start3A_246 = arith.constant 0 : i32
        %dma_start3A_247 = tpu.memref_slice %arg15[%dma_start3A_245, %dma_start3A_246] : memref<10112x16xf32, #tpu.memory_space<vmem_shared>> -> memref<10112x16xf32, #tpu.memory_space<vmem_shared>>
        tpu.enqueue_indirect_dma source(%arg13 : memref<128x16xf32, #tpu.memory_space<vmem>>) target(%dma_start3A_247 : memref<10112x16xf32, #tpu.memory_space<vmem_shared>>) offsets(%dma_start3A_244 : memref<128xi32, #tpu.memory_space<vmem>>) semaphore(%arg25 : memref<!tpu.dma_semaphore, #tpu.memory_space<semaphore_mem>>) {add = true}
      } else {
      }
      %add3A_184 = arith.constant 3 : i32
      %add3A_185 = arith.addi %add3A_156, %add3A_184 : i32
      %gt3A_186 = arith.constant 0 : i32
      %gt3A_187 = arith.cmpi sgt, %add3A_156, %gt3A_186 : i32
      %convert_element_type3A_188 = arith.extui %gt3A_187 : i1 to i32
      %cond3A_189 = arith.constant 0 : i32
      %cond3A_190 = arith.cmpi ne, %convert_element_type3A_188, %cond3A_189 : i32
      scf.if %cond3A_190 {
        %dma_wait3A_237 = arith.constant 1 : i32
        %dma_wait3A_238 = arith.constant 0 : i32
        %dma_wait3A_239 = arith.constant 0 : i32
        %dma_wait3A_240 = arith.constant 0 : i32
        %dma_wait3A_241 = tpu.memref_slice %arg12[%dma_wait3A_237, %dma_wait3A_239, %dma_wait3A_240] : memref<4x128x64xf32, #tpu.memory_space<vmem>> -> memref<1x128x64xf32, #tpu.memory_space<vmem>>
        %dma_wait3A_242 = tpu.memref_squeeze %dma_wait3A_241 : memref<1x128x64xf32, #tpu.memory_space<vmem>> -> memref<128x64xf32, #tpu.memory_space<vmem>>
        %dma_wait3A_243 = arith.constant 0 : i32
        %dma_wait3A_244 = tpu.memref_slice %arg11[%dma_wait3A_238, %dma_wait3A_243] : memref<160x128xi32, #tpu.memory_space<vmem>> -> memref<1x128xi32, #tpu.memory_space<vmem>>
        %dma_wait3A_245 = tpu.memref_squeeze %dma_wait3A_244 : memref<1x128xi32, #tpu.memory_space<vmem>> -> memref<128xi32, #tpu.memory_space<vmem>>
        %dma_wait3A_246 = arith.constant 0 : i32
        %dma_wait3A_247 = arith.constant 0 : i32
        %dma_wait3A_248 = tpu.memref_slice %arg14[%dma_wait3A_246, %dma_wait3A_247] : memref<10112x64xf32, #tpu.memory_space<vmem_shared>> -> memref<10112x64xf32, #tpu.memory_space<vmem_shared>>
        tpu.wait_indirect_dma semaphore(%arg21 : memref<!tpu.dma_semaphore, #tpu.memory_space<semaphore_mem>>) src(%dma_wait3A_242 : memref<128x64xf32, #tpu.memory_space<vmem>>) dst(%dma_wait3A_248 : memref<10112x64xf32, #tpu.memory_space<vmem_shared>>)
      } else {
      }
      %lt3A_191 = arith.constant 160 : i32
      %lt3A_192 = arith.cmpi slt, %add3A_185, %lt3A_191 : i32
      %convert_element_type3A_193 = arith.extui %lt3A_192 : i1 to i32
      %cond3A_194 = arith.constant 0 : i32
      %cond3A_195 = arith.cmpi ne, %convert_element_type3A_193, %cond3A_194 : i32
      scf.if %cond3A_195 {
        %dma_start3A_237 = arith.constant 1 : i32
        %dma_start3A_238 = arith.constant 0 : i32
        %dma_start3A_239 = arith.constant 0 : i32
        %dma_start3A_240 = tpu.memref_slice %arg12[%dma_start3A_237, %dma_start3A_238, %dma_start3A_239] : memref<4x128x64xf32, #tpu.memory_space<vmem>> -> memref<1x128x64xf32, #tpu.memory_space<vmem>>
        %dma_start3A_241 = tpu.memref_squeeze %dma_start3A_240 : memref<1x128x64xf32, #tpu.memory_space<vmem>> -> memref<128x64xf32, #tpu.memory_space<vmem>>
        %dma_start3A_242 = arith.constant 0 : i32
        %dma_start3A_243 = tpu.memref_slice %arg10[%add3A_185, %dma_start3A_242] : memref<160x128xi32, #tpu.memory_space<vmem>> -> memref<1x128xi32, #tpu.memory_space<vmem>>
        %dma_start3A_244 = tpu.memref_squeeze %dma_start3A_243 : memref<1x128xi32, #tpu.memory_space<vmem>> -> memref<128xi32, #tpu.memory_space<vmem>>
        %dma_start3A_245 = arith.constant 0 : i32
        %dma_start3A_246 = arith.constant 0 : i32
        %dma_start3A_247 = tpu.memref_slice %arg2[%dma_start3A_245, %dma_start3A_246] : memref<20000x64xf32, #tpu.memory_space<hbm>> -> memref<20000x64xf32, #tpu.memory_space<hbm>>
        tpu.enqueue_indirect_dma source(%dma_start3A_247 : memref<20000x64xf32, #tpu.memory_space<hbm>>) target(%dma_start3A_241 : memref<128x64xf32, #tpu.memory_space<vmem>>) offsets(%dma_start3A_244 : memref<128xi32, #tpu.memory_space<vmem>>) semaphore(%arg17 : memref<!tpu.dma_semaphore, #tpu.memory_space<semaphore_mem>>)
      } else {
      }
      %add3A_196 = arith.constant 3 : i32
      %add3A_197 = arith.addi %add3A_77, %add3A_196 : i32
      %dma_wait3A_198 = arith.constant 3 : i32
      %dma_wait3A_199 = arith.constant 0 : i32
      %dma_wait3A_200 = arith.constant 0 : i32
      %dma_wait3A_201 = tpu.memref_slice %arg12[%dma_wait3A_198, %dma_wait3A_199, %dma_wait3A_200] : memref<4x128x64xf32, #tpu.memory_space<vmem>> -> memref<1x128x64xf32, #tpu.memory_space<vmem>>
      %dma_wait3A_202 = tpu.memref_squeeze %dma_wait3A_201 : memref<1x128x64xf32, #tpu.memory_space<vmem>> -> memref<128x64xf32, #tpu.memory_space<vmem>>
      %dma_wait3A_203 = arith.constant 0 : i32
      %dma_wait3A_204 = tpu.memref_slice %arg10[%add3A_197, %dma_wait3A_203] : memref<160x128xi32, #tpu.memory_space<vmem>> -> memref<1x128xi32, #tpu.memory_space<vmem>>
      %dma_wait3A_205 = tpu.memref_squeeze %dma_wait3A_204 : memref<1x128xi32, #tpu.memory_space<vmem>> -> memref<128xi32, #tpu.memory_space<vmem>>
      %dma_wait3A_206 = arith.constant 0 : i32
      %dma_wait3A_207 = arith.constant 0 : i32
      %dma_wait3A_208 = tpu.memref_slice %arg2[%dma_wait3A_206, %dma_wait3A_207] : memref<20000x64xf32, #tpu.memory_space<hbm>> -> memref<20000x64xf32, #tpu.memory_space<hbm>>
      tpu.wait_indirect_dma semaphore(%arg19 : memref<!tpu.dma_semaphore, #tpu.memory_space<semaphore_mem>>) src(%dma_wait3A_208 : memref<20000x64xf32, #tpu.memory_space<hbm>>) dst(%dma_wait3A_202 : memref<128x64xf32, #tpu.memory_space<vmem>>)
      %dma_start3A_209 = arith.constant 3 : i32
      %dma_start3A_210 = arith.constant 0 : i32
      %dma_start3A_211 = arith.constant 0 : i32
      %dma_start3A_212 = tpu.memref_slice %arg12[%dma_start3A_209, %dma_start3A_210, %dma_start3A_211] : memref<4x128x64xf32, #tpu.memory_space<vmem>> -> memref<1x128x64xf32, #tpu.memory_space<vmem>>
      %dma_start3A_213 = tpu.memref_squeeze %dma_start3A_212 : memref<1x128x64xf32, #tpu.memory_space<vmem>> -> memref<128x64xf32, #tpu.memory_space<vmem>>
      %dma_start3A_214 = arith.constant 0 : i32
      %dma_start3A_215 = tpu.memref_slice %arg11[%add3A_197, %dma_start3A_214] : memref<160x128xi32, #tpu.memory_space<vmem>> -> memref<1x128xi32, #tpu.memory_space<vmem>>
      %dma_start3A_216 = tpu.memref_squeeze %dma_start3A_215 : memref<1x128xi32, #tpu.memory_space<vmem>> -> memref<128xi32, #tpu.memory_space<vmem>>
      %dma_start3A_217 = arith.constant 0 : i32
      %dma_start3A_218 = arith.constant 0 : i32
      %dma_start3A_219 = tpu.memref_slice %arg14[%dma_start3A_217, %dma_start3A_218] : memref<10112x64xf32, #tpu.memory_space<vmem_shared>> -> memref<10112x64xf32, #tpu.memory_space<vmem_shared>>
      tpu.enqueue_indirect_dma source(%dma_start3A_213 : memref<128x64xf32, #tpu.memory_space<vmem>>) target(%dma_start3A_219 : memref<10112x64xf32, #tpu.memory_space<vmem_shared>>) offsets(%dma_start3A_216 : memref<128xi32, #tpu.memory_space<vmem>>) semaphore(%arg23 : memref<!tpu.dma_semaphore, #tpu.memory_space<semaphore_mem>>) {add = true}
      %eq3A_220 = arith.constant 1 : i32
      %eq3A_221 = arith.cmpi eq, %arg0, %eq3A_220 : i32
      %convert_element_type3A_222 = arith.extui %eq3A_221 : i1 to i32
      %cond3A_223 = arith.constant 0 : i32
      %cond3A_224 = arith.cmpi ne, %convert_element_type3A_222, %cond3A_223 : i32
      scf.if %cond3A_224 {
        %gt3A_237 = arith.constant 0 : i32
        %gt3A_238 = arith.cmpi sgt, %add3A_77, %gt3A_237 : i32
        %convert_element_type3A_239 = arith.extui %gt3A_238 : i1 to i32
        %cond3A_240 = arith.constant 0 : i32
        %cond3A_241 = arith.cmpi ne, %convert_element_type3A_239, %cond3A_240 : i32
        scf.if %cond3A_241 {
          %dma_wait3A_248 = arith.constant 0 : i32
          %dma_wait3A_249 = arith.constant 0 : i32
          %dma_wait3A_250 = tpu.memref_slice %arg11[%dma_wait3A_248, %dma_wait3A_249] : memref<160x128xi32, #tpu.memory_space<vmem>> -> memref<1x128xi32, #tpu.memory_space<vmem>>
          %dma_wait3A_251 = tpu.memref_squeeze %dma_wait3A_250 : memref<1x128xi32, #tpu.memory_space<vmem>> -> memref<128xi32, #tpu.memory_space<vmem>>
          %dma_wait3A_252 = arith.constant 0 : i32
          %dma_wait3A_253 = arith.constant 0 : i32
          %dma_wait3A_254 = tpu.memref_slice %arg15[%dma_wait3A_252, %dma_wait3A_253] : memref<10112x16xf32, #tpu.memory_space<vmem_shared>> -> memref<10112x16xf32, #tpu.memory_space<vmem_shared>>
          tpu.wait_indirect_dma semaphore(%arg25 : memref<!tpu.dma_semaphore, #tpu.memory_space<semaphore_mem>>) src(%arg13 : memref<128x16xf32, #tpu.memory_space<vmem>>) dst(%dma_wait3A_254 : memref<10112x16xf32, #tpu.memory_space<vmem_shared>>)
        } else {
        }
        %dma_start3A_242 = arith.constant 0 : i32
        %dma_start3A_243 = tpu.memref_slice %arg11[%add3A_197, %dma_start3A_242] : memref<160x128xi32, #tpu.memory_space<vmem>> -> memref<1x128xi32, #tpu.memory_space<vmem>>
        %dma_start3A_244 = tpu.memref_squeeze %dma_start3A_243 : memref<1x128xi32, #tpu.memory_space<vmem>> -> memref<128xi32, #tpu.memory_space<vmem>>
        %dma_start3A_245 = arith.constant 0 : i32
        %dma_start3A_246 = arith.constant 0 : i32
        %dma_start3A_247 = tpu.memref_slice %arg15[%dma_start3A_245, %dma_start3A_246] : memref<10112x16xf32, #tpu.memory_space<vmem_shared>> -> memref<10112x16xf32, #tpu.memory_space<vmem_shared>>
        tpu.enqueue_indirect_dma source(%arg13 : memref<128x16xf32, #tpu.memory_space<vmem>>) target(%dma_start3A_247 : memref<10112x16xf32, #tpu.memory_space<vmem_shared>>) offsets(%dma_start3A_244 : memref<128xi32, #tpu.memory_space<vmem>>) semaphore(%arg25 : memref<!tpu.dma_semaphore, #tpu.memory_space<semaphore_mem>>) {add = true}
      } else {
      }
      %add3A_225 = arith.constant 3 : i32
      %add3A_226 = arith.addi %add3A_197, %add3A_225 : i32
      %gt3A_227 = arith.constant 0 : i32
      %gt3A_228 = arith.cmpi sgt, %add3A_197, %gt3A_227 : i32
      %convert_element_type3A_229 = arith.extui %gt3A_228 : i1 to i32
      %cond3A_230 = arith.constant 0 : i32
      %cond3A_231 = arith.cmpi ne, %convert_element_type3A_229, %cond3A_230 : i32
      scf.if %cond3A_231 {
        %dma_wait3A_237 = arith.constant 2 : i32
        %dma_wait3A_238 = arith.constant 0 : i32
        %dma_wait3A_239 = arith.constant 0 : i32
        %dma_wait3A_240 = arith.constant 0 : i32
        %dma_wait3A_241 = tpu.memref_slice %arg12[%dma_wait3A_237, %dma_wait3A_239, %dma_wait3A_240] : memref<4x128x64xf32, #tpu.memory_space<vmem>> -> memref<1x128x64xf32, #tpu.memory_space<vmem>>
        %dma_wait3A_242 = tpu.memref_squeeze %dma_wait3A_241 : memref<1x128x64xf32, #tpu.memory_space<vmem>> -> memref<128x64xf32, #tpu.memory_space<vmem>>
        %dma_wait3A_243 = arith.constant 0 : i32
        %dma_wait3A_244 = tpu.memref_slice %arg11[%dma_wait3A_238, %dma_wait3A_243] : memref<160x128xi32, #tpu.memory_space<vmem>> -> memref<1x128xi32, #tpu.memory_space<vmem>>
        %dma_wait3A_245 = tpu.memref_squeeze %dma_wait3A_244 : memref<1x128xi32, #tpu.memory_space<vmem>> -> memref<128xi32, #tpu.memory_space<vmem>>
        %dma_wait3A_246 = arith.constant 0 : i32
        %dma_wait3A_247 = arith.constant 0 : i32
        %dma_wait3A_248 = tpu.memref_slice %arg14[%dma_wait3A_246, %dma_wait3A_247] : memref<10112x64xf32, #tpu.memory_space<vmem_shared>> -> memref<10112x64xf32, #tpu.memory_space<vmem_shared>>
        tpu.wait_indirect_dma semaphore(%arg22 : memref<!tpu.dma_semaphore, #tpu.memory_space<semaphore_mem>>) src(%dma_wait3A_242 : memref<128x64xf32, #tpu.memory_space<vmem>>) dst(%dma_wait3A_248 : memref<10112x64xf32, #tpu.memory_space<vmem_shared>>)
      } else {
      }
      %lt3A_232 = arith.constant 160 : i32
      %lt3A_233 = arith.cmpi slt, %add3A_226, %lt3A_232 : i32
      %convert_element_type3A_234 = arith.extui %lt3A_233 : i1 to i32
      %cond3A_235 = arith.constant 0 : i32
      %cond3A_236 = arith.cmpi ne, %convert_element_type3A_234, %cond3A_235 : i32
      scf.if %cond3A_236 {
        %dma_start3A_237 = arith.constant 2 : i32
        %dma_start3A_238 = arith.constant 0 : i32
        %dma_start3A_239 = arith.constant 0 : i32
        %dma_start3A_240 = tpu.memref_slice %arg12[%dma_start3A_237, %dma_start3A_238, %dma_start3A_239] : memref<4x128x64xf32, #tpu.memory_space<vmem>> -> memref<1x128x64xf32, #tpu.memory_space<vmem>>
        %dma_start3A_241 = tpu.memref_squeeze %dma_start3A_240 : memref<1x128x64xf32, #tpu.memory_space<vmem>> -> memref<128x64xf32, #tpu.memory_space<vmem>>
        %dma_start3A_242 = arith.constant 0 : i32
        %dma_start3A_243 = tpu.memref_slice %arg10[%add3A_226, %dma_start3A_242] : memref<160x128xi32, #tpu.memory_space<vmem>> -> memref<1x128xi32, #tpu.memory_space<vmem>>
        %dma_start3A_244 = tpu.memref_squeeze %dma_start3A_243 : memref<1x128xi32, #tpu.memory_space<vmem>> -> memref<128xi32, #tpu.memory_space<vmem>>
        %dma_start3A_245 = arith.constant 0 : i32
        %dma_start3A_246 = arith.constant 0 : i32
        %dma_start3A_247 = tpu.memref_slice %arg2[%dma_start3A_245, %dma_start3A_246] : memref<20000x64xf32, #tpu.memory_space<hbm>> -> memref<20000x64xf32, #tpu.memory_space<hbm>>
        tpu.enqueue_indirect_dma source(%dma_start3A_247 : memref<20000x64xf32, #tpu.memory_space<hbm>>) target(%dma_start3A_241 : memref<128x64xf32, #tpu.memory_space<vmem>>) offsets(%dma_start3A_244 : memref<128xi32, #tpu.memory_space<vmem>>) semaphore(%arg18 : memref<!tpu.dma_semaphore, #tpu.memory_space<semaphore_mem>>)
      } else {
      }
    }
    %scan3A_46 = arith.constant 40 : i32
    %dma_wait3A = arith.constant 3 : i32
    %dma_wait3A_47 = arith.constant 0 : i32
    %dma_wait3A_48 = arith.constant 0 : i32
    %dma_wait3A_49 = arith.constant 0 : i32
    %dma_wait3A_50 = tpu.memref_slice %arg12[%dma_wait3A, %dma_wait3A_48, %dma_wait3A_49] : memref<4x128x64xf32, #tpu.memory_space<vmem>> -> memref<1x128x64xf32, #tpu.memory_space<vmem>>
    %dma_wait3A_51 = tpu.memref_squeeze %dma_wait3A_50 : memref<1x128x64xf32, #tpu.memory_space<vmem>> -> memref<128x64xf32, #tpu.memory_space<vmem>>
    %dma_wait3A_52 = arith.constant 0 : i32
    %dma_wait3A_53 = tpu.memref_slice %arg11[%dma_wait3A_47, %dma_wait3A_52] : memref<160x128xi32, #tpu.memory_space<vmem>> -> memref<1x128xi32, #tpu.memory_space<vmem>>
    %dma_wait3A_54 = tpu.memref_squeeze %dma_wait3A_53 : memref<1x128xi32, #tpu.memory_space<vmem>> -> memref<128xi32, #tpu.memory_space<vmem>>
    %dma_wait3A_55 = arith.constant 0 : i32
    %dma_wait3A_56 = arith.constant 0 : i32
    %dma_wait3A_57 = tpu.memref_slice %arg14[%dma_wait3A_55, %dma_wait3A_56] : memref<10112x64xf32, #tpu.memory_space<vmem_shared>> -> memref<10112x64xf32, #tpu.memory_space<vmem_shared>>
    tpu.wait_indirect_dma semaphore(%arg23 : memref<!tpu.dma_semaphore, #tpu.memory_space<semaphore_mem>>) src(%dma_wait3A_51 : memref<128x64xf32, #tpu.memory_space<vmem>>) dst(%dma_wait3A_57 : memref<10112x64xf32, #tpu.memory_space<vmem_shared>>)
    %dma_wait3A_58 = arith.constant 0 : i32
    %dma_wait3A_59 = arith.constant 0 : i32
    %dma_wait3A_60 = tpu.memref_slice %arg11[%dma_wait3A_58, %dma_wait3A_59] : memref<160x128xi32, #tpu.memory_space<vmem>> -> memref<1x128xi32, #tpu.memory_space<vmem>>
    %dma_wait3A_61 = tpu.memref_squeeze %dma_wait3A_60 : memref<1x128xi32, #tpu.memory_space<vmem>> -> memref<128xi32, #tpu.memory_space<vmem>>
    %dma_wait3A_62 = arith.constant 0 : i32
    %dma_wait3A_63 = arith.constant 0 : i32
    %dma_wait3A_64 = tpu.memref_slice %arg15[%dma_wait3A_62, %dma_wait3A_63] : memref<10112x16xf32, #tpu.memory_space<vmem_shared>> -> memref<10112x16xf32, #tpu.memory_space<vmem_shared>>
    tpu.wait_indirect_dma semaphore(%arg24 : memref<!tpu.dma_semaphore, #tpu.memory_space<semaphore_mem>>) src(%arg13 : memref<128x16xf32, #tpu.memory_space<vmem>>) dst(%dma_wait3A_64 : memref<10112x16xf32, #tpu.memory_space<vmem_shared>>)
    %dma_wait3A_65 = arith.constant 0 : i32
    %dma_wait3A_66 = arith.constant 0 : i32
    %dma_wait3A_67 = tpu.memref_slice %arg11[%dma_wait3A_65, %dma_wait3A_66] : memref<160x128xi32, #tpu.memory_space<vmem>> -> memref<1x128xi32, #tpu.memory_space<vmem>>
    %dma_wait3A_68 = tpu.memref_squeeze %dma_wait3A_67 : memref<1x128xi32, #tpu.memory_space<vmem>> -> memref<128xi32, #tpu.memory_space<vmem>>
    %dma_wait3A_69 = arith.constant 0 : i32
    %dma_wait3A_70 = arith.constant 0 : i32
    %dma_wait3A_71 = tpu.memref_slice %arg15[%dma_wait3A_69, %dma_wait3A_70] : memref<10112x16xf32, #tpu.memory_space<vmem_shared>> -> memref<10112x16xf32, #tpu.memory_space<vmem_shared>>
    tpu.wait_indirect_dma semaphore(%arg25 : memref<!tpu.dma_semaphore, #tpu.memory_space<semaphore_mem>>) src(%arg13 : memref<128x16xf32, #tpu.memory_space<vmem>>) dst(%dma_wait3A_71 : memref<10112x16xf32, #tpu.memory_space<vmem_shared>>)
    %barrier3A_72 = arith.constant 0 : index
    tpu.barrier barrier_id(%barrier3A_72)
    "tpu.region"() ({
      %run_scoped3A = tpu.sem_alloc : memref<!tpu.dma_semaphore, #tpu.memory_space<semaphore_mem>>
      %dma_start3A_73 = arith.constant 0 : i32
      %dma_start3A_74 = tpu.memref_slice %arg8[%arg0, %mul3A_0, %dma_start3A_73] : memref<2x10112x64xf32, #tpu.memory_space<hbm>> -> memref<1x632x64xf32, #tpu.memory_space<hbm>>
      %dma_start3A_75 = tpu.memref_squeeze %dma_start3A_74 : memref<1x632x64xf32, #tpu.memory_space<hbm>> -> memref<632x64xf32, #tpu.memory_space<hbm>>
      %dma_start3A_76 = arith.constant 0 : i32
      %dma_start3A_77 = tpu.memref_slice %arg14[%mul3A_0, %dma_start3A_76] : memref<10112x64xf32, #tpu.memory_space<vmem_shared>> -> memref<632x64xf32, #tpu.memory_space<vmem_shared>>
      tpu.enqueue_dma source(%dma_start3A_77 : memref<632x64xf32, #tpu.memory_space<vmem_shared>>) target(%dma_start3A_75 : memref<632x64xf32, #tpu.memory_space<hbm>>) target_semaphore(%run_scoped3A : memref<!tpu.dma_semaphore, #tpu.memory_space<semaphore_mem>>)
      %dma_wait3A_78 = arith.constant 0 : i32
      %dma_wait3A_79 = tpu.memref_slice %arg8[%arg0, %mul3A_0, %dma_wait3A_78] : memref<2x10112x64xf32, #tpu.memory_space<hbm>> -> memref<1x632x64xf32, #tpu.memory_space<hbm>>
      %dma_wait3A_80 = tpu.memref_squeeze %dma_wait3A_79 : memref<1x632x64xf32, #tpu.memory_space<hbm>> -> memref<632x64xf32, #tpu.memory_space<hbm>>
      %dma_wait3A_81 = arith.constant 0 : i32
      %dma_wait3A_82 = tpu.memref_slice %arg14[%mul3A_0, %dma_wait3A_81] : memref<10112x64xf32, #tpu.memory_space<vmem_shared>> -> memref<632x64xf32, #tpu.memory_space<vmem_shared>>
      tpu.wait_dma2 semaphore(%run_scoped3A : memref<!tpu.dma_semaphore, #tpu.memory_space<semaphore_mem>>) src(%dma_wait3A_82 : memref<632x64xf32, #tpu.memory_space<vmem_shared>>) dst(%dma_wait3A_80 : memref<632x64xf32, #tpu.memory_space<hbm>>)
      tpu.yield
    }) : () -> ()
    "tpu.region"() ({
      %run_scoped3A = tpu.sem_alloc : memref<!tpu.dma_semaphore, #tpu.memory_space<semaphore_mem>>
      %dma_start3A_73 = arith.constant 0 : i32
      %dma_start3A_74 = tpu.memref_slice %arg9[%arg0, %mul3A_0, %dma_start3A_73] : memref<2x10112x16xf32, #tpu.memory_space<hbm>> -> memref<1x632x16xf32, #tpu.memory_space<hbm>>
      %dma_start3A_75 = tpu.memref_squeeze %dma_start3A_74 : memref<1x632x16xf32, #tpu.memory_space<hbm>> -> memref<632x16xf32, #tpu.memory_space<hbm>>
      %dma_start3A_76 = arith.constant 0 : i32
      %dma_start3A_77 = tpu.memref_slice %arg15[%mul3A_0, %dma_start3A_76] : memref<10112x16xf32, #tpu.memory_space<vmem_shared>> -> memref<632x16xf32, #tpu.memory_space<vmem_shared>>
      tpu.enqueue_dma source(%dma_start3A_77 : memref<632x16xf32, #tpu.memory_space<vmem_shared>>) target(%dma_start3A_75 : memref<632x16xf32, #tpu.memory_space<hbm>>) target_semaphore(%run_scoped3A : memref<!tpu.dma_semaphore, #tpu.memory_space<semaphore_mem>>)
      %dma_wait3A_78 = arith.constant 0 : i32
      %dma_wait3A_79 = tpu.memref_slice %arg9[%arg0, %mul3A_0, %dma_wait3A_78] : memref<2x10112x16xf32, #tpu.memory_space<hbm>> -> memref<1x632x16xf32, #tpu.memory_space<hbm>>
      %dma_wait3A_80 = tpu.memref_squeeze %dma_wait3A_79 : memref<1x632x16xf32, #tpu.memory_space<hbm>> -> memref<632x16xf32, #tpu.memory_space<hbm>>
      %dma_wait3A_81 = arith.constant 0 : i32
      %dma_wait3A_82 = tpu.memref_slice %arg15[%mul3A_0, %dma_wait3A_81] : memref<10112x16xf32, #tpu.memory_space<vmem_shared>> -> memref<632x16xf32, #tpu.memory_space<vmem_shared>>
      tpu.wait_dma2 semaphore(%run_scoped3A : memref<!tpu.dma_semaphore, #tpu.memory_space<semaphore_mem>>) src(%dma_wait3A_82 : memref<632x16xf32, #tpu.memory_space<vmem_shared>>) dst(%dma_wait3A_80 : memref<632x16xf32, #tpu.memory_space<hbm>>)
      tpu.yield
    }) : () -> ()
    return
  }
}

#map = affine_map<(d0, d1) -> (0, 0)>
#map1 = affine_map<(d0, d1) -> (0, 0, 0)>
module attributes {stable_mosaic.version = 14 : i64} {
  func.func @body(%arg0: i32, %arg1: i32, %arg2: memref<10000x64xf32, #tpu.memory_space<hbm>>, %arg3: memref<32x80x128xi32, #tpu.memory_space<hbm>>, %arg4: memref<32x80x128xi32, #tpu.memory_space<hbm>>, %arg5: memref<632x64xf32, #tpu.memory_space<hbm>>, %arg6: memref<2x10112x64xf32, #tpu.memory_space<hbm>>, %arg7: memref<80x128xi32, #tpu.memory_space<vmem>>, %arg8: memref<80x128xi32, #tpu.memory_space<vmem>>, %arg9: memref<4x128x64xf32, #tpu.memory_space<vmem>>, %arg10: memref<10112x64xf32, #tpu.memory_space<vmem_shared>>, %arg11: memref<!tpu.dma_semaphore, #tpu.memory_space<semaphore_mem>>, %arg12: memref<!tpu.dma_semaphore, #tpu.memory_space<semaphore_mem>>, %arg13: memref<!tpu.dma_semaphore, #tpu.memory_space<semaphore_mem>>, %arg14: memref<!tpu.dma_semaphore, #tpu.memory_space<semaphore_mem>>, %arg15: memref<!tpu.dma_semaphore, #tpu.memory_space<semaphore_mem>>, %arg16: memref<!tpu.dma_semaphore, #tpu.memory_space<semaphore_mem>>, %arg17: memref<!tpu.dma_semaphore, #tpu.memory_space<semaphore_mem>>, %arg18: memref<!tpu.dma_semaphore, #tpu.memory_space<semaphore_mem>>) attributes {dimension_semantics = [#tpu.dimension_semantics<core_parallel>, #tpu.dimension_semantics<subcore_parallel>], iteration_bounds = array<i64: 2, 16>, scalar_prefetch = 0 : i64, scratch_operands = 12 : i64, tpu.core_type = #tpu.core_type<sc_vector_subcore>, window_params = [{transform_indices = #map}, {transform_indices = #map1}, {transform_indices = #map1}, {transform_indices = #map}, {transform_indices = #map1}]} {
    %mul3A = arith.constant 2 : i32
    %mul3A_0 = arith.muli %arg1, %mul3A : i32
    %add3A = arith.addi %mul3A_0, %arg0 : i32
    %mul3A_1 = arith.constant 632 : i32
    %mul3A_2 = arith.muli %arg1, %mul3A_1 : i32
    "tpu.region"() ({
      %run_scoped3A = tpu.sem_alloc : memref<!tpu.dma_semaphore, #tpu.memory_space<semaphore_mem>>
      %dma_start3A_54 = arith.constant 0 : i32
      %dma_start3A_55 = tpu.memref_slice %arg10[%mul3A_2, %dma_start3A_54] : memref<10112x64xf32, #tpu.memory_space<vmem_shared>> -> memref<632x64xf32, #tpu.memory_space<vmem_shared>>
      tpu.enqueue_dma source(%arg5 : memref<632x64xf32, #tpu.memory_space<hbm>>) target(%dma_start3A_55 : memref<632x64xf32, #tpu.memory_space<vmem_shared>>) target_semaphore(%run_scoped3A : memref<!tpu.dma_semaphore, #tpu.memory_space<semaphore_mem>>)
      %dma_wait3A_56 = arith.constant 0 : i32
      %dma_wait3A_57 = tpu.memref_slice %arg10[%mul3A_2, %dma_wait3A_56] : memref<10112x64xf32, #tpu.memory_space<vmem_shared>> -> memref<632x64xf32, #tpu.memory_space<vmem_shared>>
      tpu.wait_dma2 semaphore(%run_scoped3A : memref<!tpu.dma_semaphore, #tpu.memory_space<semaphore_mem>>) src(%arg5 : memref<632x64xf32, #tpu.memory_space<hbm>>) dst(%dma_wait3A_57 : memref<632x64xf32, #tpu.memory_space<vmem_shared>>)
      tpu.yield
    }) : () -> ()
    "tpu.region"() ({
      %run_scoped3A = tpu.sem_alloc : memref<!tpu.dma_semaphore, #tpu.memory_space<semaphore_mem>>
      %dma_start3A_54 = arith.constant 0 : i32
      %dma_start3A_55 = arith.constant 0 : i32
      %dma_start3A_56 = tpu.memref_slice %arg3[%add3A, %dma_start3A_54, %dma_start3A_55] : memref<32x80x128xi32, #tpu.memory_space<hbm>> -> memref<1x80x128xi32, #tpu.memory_space<hbm>>
      %dma_start3A_57 = tpu.memref_squeeze %dma_start3A_56 : memref<1x80x128xi32, #tpu.memory_space<hbm>> -> memref<80x128xi32, #tpu.memory_space<hbm>>
      %dma_start3A_58 = arith.constant 0 : i32
      %dma_start3A_59 = arith.constant 0 : i32
      %dma_start3A_60 = tpu.memref_slice %arg3[%add3A, %dma_start3A_58, %dma_start3A_59] : memref<32x80x128xi32, #tpu.memory_space<hbm>> -> memref<1x80x128xi32, #tpu.memory_space<hbm>>
      %dma_start3A_61 = tpu.memref_squeeze %dma_start3A_60 : memref<1x80x128xi32, #tpu.memory_space<hbm>> -> memref<80x128xi32, #tpu.memory_space<hbm>>
      tpu.enqueue_dma source(%dma_start3A_61 : memref<80x128xi32, #tpu.memory_space<hbm>>) target(%arg7 : memref<80x128xi32, #tpu.memory_space<vmem>>) target_semaphore(%run_scoped3A : memref<!tpu.dma_semaphore, #tpu.memory_space<semaphore_mem>>)
      %dma_wait3A_62 = arith.constant 0 : i32
      %dma_wait3A_63 = arith.constant 0 : i32
      %dma_wait3A_64 = tpu.memref_slice %arg3[%add3A, %dma_wait3A_62, %dma_wait3A_63] : memref<32x80x128xi32, #tpu.memory_space<hbm>> -> memref<1x80x128xi32, #tpu.memory_space<hbm>>
      %dma_wait3A_65 = tpu.memref_squeeze %dma_wait3A_64 : memref<1x80x128xi32, #tpu.memory_space<hbm>> -> memref<80x128xi32, #tpu.memory_space<hbm>>
      %dma_wait3A_66 = arith.constant 0 : i32
      %dma_wait3A_67 = arith.constant 0 : i32
      %dma_wait3A_68 = tpu.memref_slice %arg3[%add3A, %dma_wait3A_66, %dma_wait3A_67] : memref<32x80x128xi32, #tpu.memory_space<hbm>> -> memref<1x80x128xi32, #tpu.memory_space<hbm>>
      %dma_wait3A_69 = tpu.memref_squeeze %dma_wait3A_68 : memref<1x80x128xi32, #tpu.memory_space<hbm>> -> memref<80x128xi32, #tpu.memory_space<hbm>>
      tpu.wait_dma2 semaphore(%run_scoped3A : memref<!tpu.dma_semaphore, #tpu.memory_space<semaphore_mem>>) src(%dma_wait3A_69 : memref<80x128xi32, #tpu.memory_space<hbm>>) dst(%arg7 : memref<80x128xi32, #tpu.memory_space<vmem>>)
      tpu.yield
    }) : () -> ()
    "tpu.region"() ({
      %run_scoped3A = tpu.sem_alloc : memref<!tpu.dma_semaphore, #tpu.memory_space<semaphore_mem>>
      %dma_start3A_54 = arith.constant 0 : i32
      %dma_start3A_55 = arith.constant 0 : i32
      %dma_start3A_56 = tpu.memref_slice %arg4[%add3A, %dma_start3A_54, %dma_start3A_55] : memref<32x80x128xi32, #tpu.memory_space<hbm>> -> memref<1x80x128xi32, #tpu.memory_space<hbm>>
      %dma_start3A_57 = tpu.memref_squeeze %dma_start3A_56 : memref<1x80x128xi32, #tpu.memory_space<hbm>> -> memref<80x128xi32, #tpu.memory_space<hbm>>
      %dma_start3A_58 = arith.constant 0 : i32
      %dma_start3A_59 = arith.constant 0 : i32
      %dma_start3A_60 = tpu.memref_slice %arg4[%add3A, %dma_start3A_58, %dma_start3A_59] : memref<32x80x128xi32, #tpu.memory_space<hbm>> -> memref<1x80x128xi32, #tpu.memory_space<hbm>>
      %dma_start3A_61 = tpu.memref_squeeze %dma_start3A_60 : memref<1x80x128xi32, #tpu.memory_space<hbm>> -> memref<80x128xi32, #tpu.memory_space<hbm>>
      tpu.enqueue_dma source(%dma_start3A_61 : memref<80x128xi32, #tpu.memory_space<hbm>>) target(%arg8 : memref<80x128xi32, #tpu.memory_space<vmem>>) target_semaphore(%run_scoped3A : memref<!tpu.dma_semaphore, #tpu.memory_space<semaphore_mem>>)
      %dma_wait3A_62 = arith.constant 0 : i32
      %dma_wait3A_63 = arith.constant 0 : i32
      %dma_wait3A_64 = tpu.memref_slice %arg4[%add3A, %dma_wait3A_62, %dma_wait3A_63] : memref<32x80x128xi32, #tpu.memory_space<hbm>> -> memref<1x80x128xi32, #tpu.memory_space<hbm>>
      %dma_wait3A_65 = tpu.memref_squeeze %dma_wait3A_64 : memref<1x80x128xi32, #tpu.memory_space<hbm>> -> memref<80x128xi32, #tpu.memory_space<hbm>>
      %dma_wait3A_66 = arith.constant 0 : i32
      %dma_wait3A_67 = arith.constant 0 : i32
      %dma_wait3A_68 = tpu.memref_slice %arg4[%add3A, %dma_wait3A_66, %dma_wait3A_67] : memref<32x80x128xi32, #tpu.memory_space<hbm>> -> memref<1x80x128xi32, #tpu.memory_space<hbm>>
      %dma_wait3A_69 = tpu.memref_squeeze %dma_wait3A_68 : memref<1x80x128xi32, #tpu.memory_space<hbm>> -> memref<80x128xi32, #tpu.memory_space<hbm>>
      tpu.wait_dma2 semaphore(%run_scoped3A : memref<!tpu.dma_semaphore, #tpu.memory_space<semaphore_mem>>) src(%dma_wait3A_69 : memref<80x128xi32, #tpu.memory_space<hbm>>) dst(%arg8 : memref<80x128xi32, #tpu.memory_space<vmem>>)
      tpu.yield
    }) : () -> ()
    %barrier3A = arith.constant 0 : index
    tpu.barrier barrier_id(%barrier3A)
    %dma_start3A = arith.constant 0 : i32
    %dma_start3A_3 = arith.constant 0 : i32
    %dma_start3A_4 = arith.constant 0 : i32
    %dma_start3A_5 = arith.constant 0 : i32
    %dma_start3A_6 = tpu.memref_slice %arg9[%dma_start3A_3, %dma_start3A_4, %dma_start3A_5] : memref<4x128x64xf32, #tpu.memory_space<vmem>> -> memref<1x128x64xf32, #tpu.memory_space<vmem>>
    %dma_start3A_7 = tpu.memref_squeeze %dma_start3A_6 : memref<1x128x64xf32, #tpu.memory_space<vmem>> -> memref<128x64xf32, #tpu.memory_space<vmem>>
    %dma_start3A_8 = arith.constant 0 : i32
    %dma_start3A_9 = tpu.memref_slice %arg7[%dma_start3A, %dma_start3A_8] : memref<80x128xi32, #tpu.memory_space<vmem>> -> memref<1x128xi32, #tpu.memory_space<vmem>>
    %dma_start3A_10 = tpu.memref_squeeze %dma_start3A_9 : memref<1x128xi32, #tpu.memory_space<vmem>> -> memref<128xi32, #tpu.memory_space<vmem>>
    %dma_start3A_11 = arith.constant 0 : i32
    %dma_start3A_12 = arith.constant 0 : i32
    %dma_start3A_13 = tpu.memref_slice %arg2[%dma_start3A_11, %dma_start3A_12] : memref<10000x64xf32, #tpu.memory_space<hbm>> -> memref<10000x64xf32, #tpu.memory_space<hbm>>
    tpu.enqueue_indirect_dma source(%dma_start3A_13 : memref<10000x64xf32, #tpu.memory_space<hbm>>) target(%dma_start3A_7 : memref<128x64xf32, #tpu.memory_space<vmem>>) offsets(%dma_start3A_10 : memref<128xi32, #tpu.memory_space<vmem>>) semaphore(%arg11 : memref<!tpu.dma_semaphore, #tpu.memory_space<semaphore_mem>>)
    %dma_start3A_14 = arith.constant 1 : i32
    %dma_start3A_15 = arith.constant 1 : i32
    %dma_start3A_16 = arith.constant 0 : i32
    %dma_start3A_17 = arith.constant 0 : i32
    %dma_start3A_18 = tpu.memref_slice %arg9[%dma_start3A_15, %dma_start3A_16, %dma_start3A_17] : memref<4x128x64xf32, #tpu.memory_space<vmem>> -> memref<1x128x64xf32, #tpu.memory_space<vmem>>
    %dma_start3A_19 = tpu.memref_squeeze %dma_start3A_18 : memref<1x128x64xf32, #tpu.memory_space<vmem>> -> memref<128x64xf32, #tpu.memory_space<vmem>>
    %dma_start3A_20 = arith.constant 0 : i32
    %dma_start3A_21 = tpu.memref_slice %arg7[%dma_start3A_14, %dma_start3A_20] : memref<80x128xi32, #tpu.memory_space<vmem>> -> memref<1x128xi32, #tpu.memory_space<vmem>>
    %dma_start3A_22 = tpu.memref_squeeze %dma_start3A_21 : memref<1x128xi32, #tpu.memory_space<vmem>> -> memref<128xi32, #tpu.memory_space<vmem>>
    %dma_start3A_23 = arith.constant 0 : i32
    %dma_start3A_24 = arith.constant 0 : i32
    %dma_start3A_25 = tpu.memref_slice %arg2[%dma_start3A_23, %dma_start3A_24] : memref<10000x64xf32, #tpu.memory_space<hbm>> -> memref<10000x64xf32, #tpu.memory_space<hbm>>
    tpu.enqueue_indirect_dma source(%dma_start3A_25 : memref<10000x64xf32, #tpu.memory_space<hbm>>) target(%dma_start3A_19 : memref<128x64xf32, #tpu.memory_space<vmem>>) offsets(%dma_start3A_22 : memref<128xi32, #tpu.memory_space<vmem>>) semaphore(%arg12 : memref<!tpu.dma_semaphore, #tpu.memory_space<semaphore_mem>>)
    %dma_start3A_26 = arith.constant 2 : i32
    %dma_start3A_27 = arith.constant 2 : i32
    %dma_start3A_28 = arith.constant 0 : i32
    %dma_start3A_29 = arith.constant 0 : i32
    %dma_start3A_30 = tpu.memref_slice %arg9[%dma_start3A_27, %dma_start3A_28, %dma_start3A_29] : memref<4x128x64xf32, #tpu.memory_space<vmem>> -> memref<1x128x64xf32, #tpu.memory_space<vmem>>
    %dma_start3A_31 = tpu.memref_squeeze %dma_start3A_30 : memref<1x128x64xf32, #tpu.memory_space<vmem>> -> memref<128x64xf32, #tpu.memory_space<vmem>>
    %dma_start3A_32 = arith.constant 0 : i32
    %dma_start3A_33 = tpu.memref_slice %arg7[%dma_start3A_26, %dma_start3A_32] : memref<80x128xi32, #tpu.memory_space<vmem>> -> memref<1x128xi32, #tpu.memory_space<vmem>>
    %dma_start3A_34 = tpu.memref_squeeze %dma_start3A_33 : memref<1x128xi32, #tpu.memory_space<vmem>> -> memref<128xi32, #tpu.memory_space<vmem>>
    %dma_start3A_35 = arith.constant 0 : i32
    %dma_start3A_36 = arith.constant 0 : i32
    %dma_start3A_37 = tpu.memref_slice %arg2[%dma_start3A_35, %dma_start3A_36] : memref<10000x64xf32, #tpu.memory_space<hbm>> -> memref<10000x64xf32, #tpu.memory_space<hbm>>
    tpu.enqueue_indirect_dma source(%dma_start3A_37 : memref<10000x64xf32, #tpu.memory_space<hbm>>) target(%dma_start3A_31 : memref<128x64xf32, #tpu.memory_space<vmem>>) offsets(%dma_start3A_34 : memref<128xi32, #tpu.memory_space<vmem>>) semaphore(%arg13 : memref<!tpu.dma_semaphore, #tpu.memory_space<semaphore_mem>>)
    %scan3A = arith.constant 0 : i32
    %scan3A_38 = arith.constant 20 : i32
    %scan3A_39 = arith.addi %scan3A, %scan3A_38 : i32
    %scan3A_40 = arith.constant 1 : i32
    scf.for %scan3A_54 = %scan3A to %scan3A_39 step %scan3A_40  : i32 {
      %mul3A_55 = arith.constant 4 : i32
      %mul3A_56 = arith.muli %scan3A_54, %mul3A_55 : i32
      %add3A_57 = arith.constant 0 : i32
      %add3A_58 = arith.addi %add3A_57, %mul3A_56 : i32
      %add3A_59 = arith.constant 0 : i32
      %add3A_60 = arith.addi %add3A_58, %add3A_59 : i32
      %dma_wait3A_61 = arith.constant 0 : i32
      %dma_wait3A_62 = arith.constant 0 : i32
      %dma_wait3A_63 = arith.constant 0 : i32
      %dma_wait3A_64 = tpu.memref_slice %arg9[%dma_wait3A_61, %dma_wait3A_62, %dma_wait3A_63] : memref<4x128x64xf32, #tpu.memory_space<vmem>> -> memref<1x128x64xf32, #tpu.memory_space<vmem>>
      %dma_wait3A_65 = tpu.memref_squeeze %dma_wait3A_64 : memref<1x128x64xf32, #tpu.memory_space<vmem>> -> memref<128x64xf32, #tpu.memory_space<vmem>>
      %dma_wait3A_66 = arith.constant 0 : i32
      %dma_wait3A_67 = tpu.memref_slice %arg7[%add3A_60, %dma_wait3A_66] : memref<80x128xi32, #tpu.memory_space<vmem>> -> memref<1x128xi32, #tpu.memory_space<vmem>>
      %dma_wait3A_68 = tpu.memref_squeeze %dma_wait3A_67 : memref<1x128xi32, #tpu.memory_space<vmem>> -> memref<128xi32, #tpu.memory_space<vmem>>
      %dma_wait3A_69 = arith.constant 0 : i32
      %dma_wait3A_70 = arith.constant 0 : i32
      %dma_wait3A_71 = tpu.memref_slice %arg2[%dma_wait3A_69, %dma_wait3A_70] : memref<10000x64xf32, #tpu.memory_space<hbm>> -> memref<10000x64xf32, #tpu.memory_space<hbm>>
      tpu.wait_indirect_dma semaphore(%arg11 : memref<!tpu.dma_semaphore, #tpu.memory_space<semaphore_mem>>) src(%dma_wait3A_71 : memref<10000x64xf32, #tpu.memory_space<hbm>>) dst(%dma_wait3A_65 : memref<128x64xf32, #tpu.memory_space<vmem>>)
      %dma_start3A_72 = arith.constant 0 : i32
      %dma_start3A_73 = arith.constant 0 : i32
      %dma_start3A_74 = arith.constant 0 : i32
      %dma_start3A_75 = tpu.memref_slice %arg9[%dma_start3A_72, %dma_start3A_73, %dma_start3A_74] : memref<4x128x64xf32, #tpu.memory_space<vmem>> -> memref<1x128x64xf32, #tpu.memory_space<vmem>>
      %dma_start3A_76 = tpu.memref_squeeze %dma_start3A_75 : memref<1x128x64xf32, #tpu.memory_space<vmem>> -> memref<128x64xf32, #tpu.memory_space<vmem>>
      %dma_start3A_77 = arith.constant 0 : i32
      %dma_start3A_78 = tpu.memref_slice %arg8[%add3A_60, %dma_start3A_77] : memref<80x128xi32, #tpu.memory_space<vmem>> -> memref<1x128xi32, #tpu.memory_space<vmem>>
      %dma_start3A_79 = tpu.memref_squeeze %dma_start3A_78 : memref<1x128xi32, #tpu.memory_space<vmem>> -> memref<128xi32, #tpu.memory_space<vmem>>
      %dma_start3A_80 = arith.constant 0 : i32
      %dma_start3A_81 = arith.constant 0 : i32
      %dma_start3A_82 = tpu.memref_slice %arg10[%dma_start3A_80, %dma_start3A_81] : memref<10112x64xf32, #tpu.memory_space<vmem_shared>> -> memref<10112x64xf32, #tpu.memory_space<vmem_shared>>
      tpu.enqueue_indirect_dma source(%dma_start3A_76 : memref<128x64xf32, #tpu.memory_space<vmem>>) target(%dma_start3A_82 : memref<10112x64xf32, #tpu.memory_space<vmem_shared>>) offsets(%dma_start3A_79 : memref<128xi32, #tpu.memory_space<vmem>>) semaphore(%arg15 : memref<!tpu.dma_semaphore, #tpu.memory_space<semaphore_mem>>) {add = true}
      %add3A_83 = arith.constant 3 : i32
      %add3A_84 = arith.addi %add3A_60, %add3A_83 : i32
      %gt3A = arith.constant 0 : i32
      %gt3A_85 = arith.cmpi sgt, %add3A_60, %gt3A : i32
      %convert_element_type3A = arith.extui %gt3A_85 : i1 to i32
      %cond3A = arith.constant 0 : i32
      %cond3A_86 = arith.cmpi ne, %convert_element_type3A, %cond3A : i32
      scf.if %cond3A_86 {
        %dma_wait3A_199 = arith.constant 3 : i32
        %dma_wait3A_200 = arith.constant 0 : i32
        %dma_wait3A_201 = arith.constant 0 : i32
        %dma_wait3A_202 = arith.constant 0 : i32
        %dma_wait3A_203 = tpu.memref_slice %arg9[%dma_wait3A_199, %dma_wait3A_201, %dma_wait3A_202] : memref<4x128x64xf32, #tpu.memory_space<vmem>> -> memref<1x128x64xf32, #tpu.memory_space<vmem>>
        %dma_wait3A_204 = tpu.memref_squeeze %dma_wait3A_203 : memref<1x128x64xf32, #tpu.memory_space<vmem>> -> memref<128x64xf32, #tpu.memory_space<vmem>>
        %dma_wait3A_205 = arith.constant 0 : i32
        %dma_wait3A_206 = tpu.memref_slice %arg8[%dma_wait3A_200, %dma_wait3A_205] : memref<80x128xi32, #tpu.memory_space<vmem>> -> memref<1x128xi32, #tpu.memory_space<vmem>>
        %dma_wait3A_207 = tpu.memref_squeeze %dma_wait3A_206 : memref<1x128xi32, #tpu.memory_space<vmem>> -> memref<128xi32, #tpu.memory_space<vmem>>
        %dma_wait3A_208 = arith.constant 0 : i32
        %dma_wait3A_209 = arith.constant 0 : i32
        %dma_wait3A_210 = tpu.memref_slice %arg10[%dma_wait3A_208, %dma_wait3A_209] : memref<10112x64xf32, #tpu.memory_space<vmem_shared>> -> memref<10112x64xf32, #tpu.memory_space<vmem_shared>>
        tpu.wait_indirect_dma semaphore(%arg18 : memref<!tpu.dma_semaphore, #tpu.memory_space<semaphore_mem>>) src(%dma_wait3A_204 : memref<128x64xf32, #tpu.memory_space<vmem>>) dst(%dma_wait3A_210 : memref<10112x64xf32, #tpu.memory_space<vmem_shared>>)
      } else {
      }
      %lt3A = arith.constant 80 : i32
      %lt3A_87 = arith.cmpi slt, %add3A_84, %lt3A : i32
      %convert_element_type3A_88 = arith.extui %lt3A_87 : i1 to i32
      %cond3A_89 = arith.constant 0 : i32
      %cond3A_90 = arith.cmpi ne, %convert_element_type3A_88, %cond3A_89 : i32
      scf.if %cond3A_90 {
        %dma_start3A_199 = arith.constant 3 : i32
        %dma_start3A_200 = arith.constant 0 : i32
        %dma_start3A_201 = arith.constant 0 : i32
        %dma_start3A_202 = tpu.memref_slice %arg9[%dma_start3A_199, %dma_start3A_200, %dma_start3A_201] : memref<4x128x64xf32, #tpu.memory_space<vmem>> -> memref<1x128x64xf32, #tpu.memory_space<vmem>>
        %dma_start3A_203 = tpu.memref_squeeze %dma_start3A_202 : memref<1x128x64xf32, #tpu.memory_space<vmem>> -> memref<128x64xf32, #tpu.memory_space<vmem>>
        %dma_start3A_204 = arith.constant 0 : i32
        %dma_start3A_205 = tpu.memref_slice %arg7[%add3A_84, %dma_start3A_204] : memref<80x128xi32, #tpu.memory_space<vmem>> -> memref<1x128xi32, #tpu.memory_space<vmem>>
        %dma_start3A_206 = tpu.memref_squeeze %dma_start3A_205 : memref<1x128xi32, #tpu.memory_space<vmem>> -> memref<128xi32, #tpu.memory_space<vmem>>
        %dma_start3A_207 = arith.constant 0 : i32
        %dma_start3A_208 = arith.constant 0 : i32
        %dma_start3A_209 = tpu.memref_slice %arg2[%dma_start3A_207, %dma_start3A_208] : memref<10000x64xf32, #tpu.memory_space<hbm>> -> memref<10000x64xf32, #tpu.memory_space<hbm>>
        tpu.enqueue_indirect_dma source(%dma_start3A_209 : memref<10000x64xf32, #tpu.memory_space<hbm>>) target(%dma_start3A_203 : memref<128x64xf32, #tpu.memory_space<vmem>>) offsets(%dma_start3A_206 : memref<128xi32, #tpu.memory_space<vmem>>) semaphore(%arg14 : memref<!tpu.dma_semaphore, #tpu.memory_space<semaphore_mem>>)
      } else {
      }
      %add3A_91 = arith.constant 1 : i32
      %add3A_92 = arith.addi %add3A_58, %add3A_91 : i32
      %dma_wait3A_93 = arith.constant 1 : i32
      %dma_wait3A_94 = arith.constant 0 : i32
      %dma_wait3A_95 = arith.constant 0 : i32
      %dma_wait3A_96 = tpu.memref_slice %arg9[%dma_wait3A_93, %dma_wait3A_94, %dma_wait3A_95] : memref<4x128x64xf32, #tpu.memory_space<vmem>> -> memref<1x128x64xf32, #tpu.memory_space<vmem>>
      %dma_wait3A_97 = tpu.memref_squeeze %dma_wait3A_96 : memref<1x128x64xf32, #tpu.memory_space<vmem>> -> memref<128x64xf32, #tpu.memory_space<vmem>>
      %dma_wait3A_98 = arith.constant 0 : i32
      %dma_wait3A_99 = tpu.memref_slice %arg7[%add3A_92, %dma_wait3A_98] : memref<80x128xi32, #tpu.memory_space<vmem>> -> memref<1x128xi32, #tpu.memory_space<vmem>>
      %dma_wait3A_100 = tpu.memref_squeeze %dma_wait3A_99 : memref<1x128xi32, #tpu.memory_space<vmem>> -> memref<128xi32, #tpu.memory_space<vmem>>
      %dma_wait3A_101 = arith.constant 0 : i32
      %dma_wait3A_102 = arith.constant 0 : i32
      %dma_wait3A_103 = tpu.memref_slice %arg2[%dma_wait3A_101, %dma_wait3A_102] : memref<10000x64xf32, #tpu.memory_space<hbm>> -> memref<10000x64xf32, #tpu.memory_space<hbm>>
      tpu.wait_indirect_dma semaphore(%arg12 : memref<!tpu.dma_semaphore, #tpu.memory_space<semaphore_mem>>) src(%dma_wait3A_103 : memref<10000x64xf32, #tpu.memory_space<hbm>>) dst(%dma_wait3A_97 : memref<128x64xf32, #tpu.memory_space<vmem>>)
      %dma_start3A_104 = arith.constant 1 : i32
      %dma_start3A_105 = arith.constant 0 : i32
      %dma_start3A_106 = arith.constant 0 : i32
      %dma_start3A_107 = tpu.memref_slice %arg9[%dma_start3A_104, %dma_start3A_105, %dma_start3A_106] : memref<4x128x64xf32, #tpu.memory_space<vmem>> -> memref<1x128x64xf32, #tpu.memory_space<vmem>>
      %dma_start3A_108 = tpu.memref_squeeze %dma_start3A_107 : memref<1x128x64xf32, #tpu.memory_space<vmem>> -> memref<128x64xf32, #tpu.memory_space<vmem>>
      %dma_start3A_109 = arith.constant 0 : i32
      %dma_start3A_110 = tpu.memref_slice %arg8[%add3A_92, %dma_start3A_109] : memref<80x128xi32, #tpu.memory_space<vmem>> -> memref<1x128xi32, #tpu.memory_space<vmem>>
      %dma_start3A_111 = tpu.memref_squeeze %dma_start3A_110 : memref<1x128xi32, #tpu.memory_space<vmem>> -> memref<128xi32, #tpu.memory_space<vmem>>
      %dma_start3A_112 = arith.constant 0 : i32
      %dma_start3A_113 = arith.constant 0 : i32
      %dma_start3A_114 = tpu.memref_slice %arg10[%dma_start3A_112, %dma_start3A_113] : memref<10112x64xf32, #tpu.memory_space<vmem_shared>> -> memref<10112x64xf32, #tpu.memory_space<vmem_shared>>
      tpu.enqueue_indirect_dma source(%dma_start3A_108 : memref<128x64xf32, #tpu.memory_space<vmem>>) target(%dma_start3A_114 : memref<10112x64xf32, #tpu.memory_space<vmem_shared>>) offsets(%dma_start3A_111 : memref<128xi32, #tpu.memory_space<vmem>>) semaphore(%arg16 : memref<!tpu.dma_semaphore, #tpu.memory_space<semaphore_mem>>) {add = true}
      %add3A_115 = arith.constant 3 : i32
      %add3A_116 = arith.addi %add3A_92, %add3A_115 : i32
      %gt3A_117 = arith.constant 0 : i32
      %gt3A_118 = arith.cmpi sgt, %add3A_92, %gt3A_117 : i32
      %convert_element_type3A_119 = arith.extui %gt3A_118 : i1 to i32
      %cond3A_120 = arith.constant 0 : i32
      %cond3A_121 = arith.cmpi ne, %convert_element_type3A_119, %cond3A_120 : i32
      scf.if %cond3A_121 {
        %dma_wait3A_199 = arith.constant 0 : i32
        %dma_wait3A_200 = arith.constant 0 : i32
        %dma_wait3A_201 = arith.constant 0 : i32
        %dma_wait3A_202 = arith.constant 0 : i32
        %dma_wait3A_203 = tpu.memref_slice %arg9[%dma_wait3A_199, %dma_wait3A_201, %dma_wait3A_202] : memref<4x128x64xf32, #tpu.memory_space<vmem>> -> memref<1x128x64xf32, #tpu.memory_space<vmem>>
        %dma_wait3A_204 = tpu.memref_squeeze %dma_wait3A_203 : memref<1x128x64xf32, #tpu.memory_space<vmem>> -> memref<128x64xf32, #tpu.memory_space<vmem>>
        %dma_wait3A_205 = arith.constant 0 : i32
        %dma_wait3A_206 = tpu.memref_slice %arg8[%dma_wait3A_200, %dma_wait3A_205] : memref<80x128xi32, #tpu.memory_space<vmem>> -> memref<1x128xi32, #tpu.memory_space<vmem>>
        %dma_wait3A_207 = tpu.memref_squeeze %dma_wait3A_206 : memref<1x128xi32, #tpu.memory_space<vmem>> -> memref<128xi32, #tpu.memory_space<vmem>>
        %dma_wait3A_208 = arith.constant 0 : i32
        %dma_wait3A_209 = arith.constant 0 : i32
        %dma_wait3A_210 = tpu.memref_slice %arg10[%dma_wait3A_208, %dma_wait3A_209] : memref<10112x64xf32, #tpu.memory_space<vmem_shared>> -> memref<10112x64xf32, #tpu.memory_space<vmem_shared>>
        tpu.wait_indirect_dma semaphore(%arg15 : memref<!tpu.dma_semaphore, #tpu.memory_space<semaphore_mem>>) src(%dma_wait3A_204 : memref<128x64xf32, #tpu.memory_space<vmem>>) dst(%dma_wait3A_210 : memref<10112x64xf32, #tpu.memory_space<vmem_shared>>)
      } else {
      }
      %lt3A_122 = arith.constant 80 : i32
      %lt3A_123 = arith.cmpi slt, %add3A_116, %lt3A_122 : i32
      %convert_element_type3A_124 = arith.extui %lt3A_123 : i1 to i32
      %cond3A_125 = arith.constant 0 : i32
      %cond3A_126 = arith.cmpi ne, %convert_element_type3A_124, %cond3A_125 : i32
      scf.if %cond3A_126 {
        %dma_start3A_199 = arith.constant 0 : i32
        %dma_start3A_200 = arith.constant 0 : i32
        %dma_start3A_201 = arith.constant 0 : i32
        %dma_start3A_202 = tpu.memref_slice %arg9[%dma_start3A_199, %dma_start3A_200, %dma_start3A_201] : memref<4x128x64xf32, #tpu.memory_space<vmem>> -> memref<1x128x64xf32, #tpu.memory_space<vmem>>
        %dma_start3A_203 = tpu.memref_squeeze %dma_start3A_202 : memref<1x128x64xf32, #tpu.memory_space<vmem>> -> memref<128x64xf32, #tpu.memory_space<vmem>>
        %dma_start3A_204 = arith.constant 0 : i32
        %dma_start3A_205 = tpu.memref_slice %arg7[%add3A_116, %dma_start3A_204] : memref<80x128xi32, #tpu.memory_space<vmem>> -> memref<1x128xi32, #tpu.memory_space<vmem>>
        %dma_start3A_206 = tpu.memref_squeeze %dma_start3A_205 : memref<1x128xi32, #tpu.memory_space<vmem>> -> memref<128xi32, #tpu.memory_space<vmem>>
        %dma_start3A_207 = arith.constant 0 : i32
        %dma_start3A_208 = arith.constant 0 : i32
        %dma_start3A_209 = tpu.memref_slice %arg2[%dma_start3A_207, %dma_start3A_208] : memref<10000x64xf32, #tpu.memory_space<hbm>> -> memref<10000x64xf32, #tpu.memory_space<hbm>>
        tpu.enqueue_indirect_dma source(%dma_start3A_209 : memref<10000x64xf32, #tpu.memory_space<hbm>>) target(%dma_start3A_203 : memref<128x64xf32, #tpu.memory_space<vmem>>) offsets(%dma_start3A_206 : memref<128xi32, #tpu.memory_space<vmem>>) semaphore(%arg11 : memref<!tpu.dma_semaphore, #tpu.memory_space<semaphore_mem>>)
      } else {
      }
      %add3A_127 = arith.constant 2 : i32
      %add3A_128 = arith.addi %add3A_58, %add3A_127 : i32
      %dma_wait3A_129 = arith.constant 2 : i32
      %dma_wait3A_130 = arith.constant 0 : i32
      %dma_wait3A_131 = arith.constant 0 : i32
      %dma_wait3A_132 = tpu.memref_slice %arg9[%dma_wait3A_129, %dma_wait3A_130, %dma_wait3A_131] : memref<4x128x64xf32, #tpu.memory_space<vmem>> -> memref<1x128x64xf32, #tpu.memory_space<vmem>>
      %dma_wait3A_133 = tpu.memref_squeeze %dma_wait3A_132 : memref<1x128x64xf32, #tpu.memory_space<vmem>> -> memref<128x64xf32, #tpu.memory_space<vmem>>
      %dma_wait3A_134 = arith.constant 0 : i32
      %dma_wait3A_135 = tpu.memref_slice %arg7[%add3A_128, %dma_wait3A_134] : memref<80x128xi32, #tpu.memory_space<vmem>> -> memref<1x128xi32, #tpu.memory_space<vmem>>
      %dma_wait3A_136 = tpu.memref_squeeze %dma_wait3A_135 : memref<1x128xi32, #tpu.memory_space<vmem>> -> memref<128xi32, #tpu.memory_space<vmem>>
      %dma_wait3A_137 = arith.constant 0 : i32
      %dma_wait3A_138 = arith.constant 0 : i32
      %dma_wait3A_139 = tpu.memref_slice %arg2[%dma_wait3A_137, %dma_wait3A_138] : memref<10000x64xf32, #tpu.memory_space<hbm>> -> memref<10000x64xf32, #tpu.memory_space<hbm>>
      tpu.wait_indirect_dma semaphore(%arg13 : memref<!tpu.dma_semaphore, #tpu.memory_space<semaphore_mem>>) src(%dma_wait3A_139 : memref<10000x64xf32, #tpu.memory_space<hbm>>) dst(%dma_wait3A_133 : memref<128x64xf32, #tpu.memory_space<vmem>>)
      %dma_start3A_140 = arith.constant 2 : i32
      %dma_start3A_141 = arith.constant 0 : i32
      %dma_start3A_142 = arith.constant 0 : i32
      %dma_start3A_143 = tpu.memref_slice %arg9[%dma_start3A_140, %dma_start3A_141, %dma_start3A_142] : memref<4x128x64xf32, #tpu.memory_space<vmem>> -> memref<1x128x64xf32, #tpu.memory_space<vmem>>
      %dma_start3A_144 = tpu.memref_squeeze %dma_start3A_143 : memref<1x128x64xf32, #tpu.memory_space<vmem>> -> memref<128x64xf32, #tpu.memory_space<vmem>>
      %dma_start3A_145 = arith.constant 0 : i32
      %dma_start3A_146 = tpu.memref_slice %arg8[%add3A_128, %dma_start3A_145] : memref<80x128xi32, #tpu.memory_space<vmem>> -> memref<1x128xi32, #tpu.memory_space<vmem>>
      %dma_start3A_147 = tpu.memref_squeeze %dma_start3A_146 : memref<1x128xi32, #tpu.memory_space<vmem>> -> memref<128xi32, #tpu.memory_space<vmem>>
      %dma_start3A_148 = arith.constant 0 : i32
      %dma_start3A_149 = arith.constant 0 : i32
      %dma_start3A_150 = tpu.memref_slice %arg10[%dma_start3A_148, %dma_start3A_149] : memref<10112x64xf32, #tpu.memory_space<vmem_shared>> -> memref<10112x64xf32, #tpu.memory_space<vmem_shared>>
      tpu.enqueue_indirect_dma source(%dma_start3A_144 : memref<128x64xf32, #tpu.memory_space<vmem>>) target(%dma_start3A_150 : memref<10112x64xf32, #tpu.memory_space<vmem_shared>>) offsets(%dma_start3A_147 : memref<128xi32, #tpu.memory_space<vmem>>) semaphore(%arg17 : memref<!tpu.dma_semaphore, #tpu.memory_space<semaphore_mem>>) {add = true}
      %add3A_151 = arith.constant 3 : i32
      %add3A_152 = arith.addi %add3A_128, %add3A_151 : i32
      %gt3A_153 = arith.constant 0 : i32
      %gt3A_154 = arith.cmpi sgt, %add3A_128, %gt3A_153 : i32
      %convert_element_type3A_155 = arith.extui %gt3A_154 : i1 to i32
      %cond3A_156 = arith.constant 0 : i32
      %cond3A_157 = arith.cmpi ne, %convert_element_type3A_155, %cond3A_156 : i32
      scf.if %cond3A_157 {
        %dma_wait3A_199 = arith.constant 1 : i32
        %dma_wait3A_200 = arith.constant 0 : i32
        %dma_wait3A_201 = arith.constant 0 : i32
        %dma_wait3A_202 = arith.constant 0 : i32
        %dma_wait3A_203 = tpu.memref_slice %arg9[%dma_wait3A_199, %dma_wait3A_201, %dma_wait3A_202] : memref<4x128x64xf32, #tpu.memory_space<vmem>> -> memref<1x128x64xf32, #tpu.memory_space<vmem>>
        %dma_wait3A_204 = tpu.memref_squeeze %dma_wait3A_203 : memref<1x128x64xf32, #tpu.memory_space<vmem>> -> memref<128x64xf32, #tpu.memory_space<vmem>>
        %dma_wait3A_205 = arith.constant 0 : i32
        %dma_wait3A_206 = tpu.memref_slice %arg8[%dma_wait3A_200, %dma_wait3A_205] : memref<80x128xi32, #tpu.memory_space<vmem>> -> memref<1x128xi32, #tpu.memory_space<vmem>>
        %dma_wait3A_207 = tpu.memref_squeeze %dma_wait3A_206 : memref<1x128xi32, #tpu.memory_space<vmem>> -> memref<128xi32, #tpu.memory_space<vmem>>
        %dma_wait3A_208 = arith.constant 0 : i32
        %dma_wait3A_209 = arith.constant 0 : i32
        %dma_wait3A_210 = tpu.memref_slice %arg10[%dma_wait3A_208, %dma_wait3A_209] : memref<10112x64xf32, #tpu.memory_space<vmem_shared>> -> memref<10112x64xf32, #tpu.memory_space<vmem_shared>>
        tpu.wait_indirect_dma semaphore(%arg16 : memref<!tpu.dma_semaphore, #tpu.memory_space<semaphore_mem>>) src(%dma_wait3A_204 : memref<128x64xf32, #tpu.memory_space<vmem>>) dst(%dma_wait3A_210 : memref<10112x64xf32, #tpu.memory_space<vmem_shared>>)
      } else {
      }
      %lt3A_158 = arith.constant 80 : i32
      %lt3A_159 = arith.cmpi slt, %add3A_152, %lt3A_158 : i32
      %convert_element_type3A_160 = arith.extui %lt3A_159 : i1 to i32
      %cond3A_161 = arith.constant 0 : i32
      %cond3A_162 = arith.cmpi ne, %convert_element_type3A_160, %cond3A_161 : i32
      scf.if %cond3A_162 {
        %dma_start3A_199 = arith.constant 1 : i32
        %dma_start3A_200 = arith.constant 0 : i32
        %dma_start3A_201 = arith.constant 0 : i32
        %dma_start3A_202 = tpu.memref_slice %arg9[%dma_start3A_199, %dma_start3A_200, %dma_start3A_201] : memref<4x128x64xf32, #tpu.memory_space<vmem>> -> memref<1x128x64xf32, #tpu.memory_space<vmem>>
        %dma_start3A_203 = tpu.memref_squeeze %dma_start3A_202 : memref<1x128x64xf32, #tpu.memory_space<vmem>> -> memref<128x64xf32, #tpu.memory_space<vmem>>
        %dma_start3A_204 = arith.constant 0 : i32
        %dma_start3A_205 = tpu.memref_slice %arg7[%add3A_152, %dma_start3A_204] : memref<80x128xi32, #tpu.memory_space<vmem>> -> memref<1x128xi32, #tpu.memory_space<vmem>>
        %dma_start3A_206 = tpu.memref_squeeze %dma_start3A_205 : memref<1x128xi32, #tpu.memory_space<vmem>> -> memref<128xi32, #tpu.memory_space<vmem>>
        %dma_start3A_207 = arith.constant 0 : i32
        %dma_start3A_208 = arith.constant 0 : i32
        %dma_start3A_209 = tpu.memref_slice %arg2[%dma_start3A_207, %dma_start3A_208] : memref<10000x64xf32, #tpu.memory_space<hbm>> -> memref<10000x64xf32, #tpu.memory_space<hbm>>
        tpu.enqueue_indirect_dma source(%dma_start3A_209 : memref<10000x64xf32, #tpu.memory_space<hbm>>) target(%dma_start3A_203 : memref<128x64xf32, #tpu.memory_space<vmem>>) offsets(%dma_start3A_206 : memref<128xi32, #tpu.memory_space<vmem>>) semaphore(%arg12 : memref<!tpu.dma_semaphore, #tpu.memory_space<semaphore_mem>>)
      } else {
      }
      %add3A_163 = arith.constant 3 : i32
      %add3A_164 = arith.addi %add3A_58, %add3A_163 : i32
      %dma_wait3A_165 = arith.constant 3 : i32
      %dma_wait3A_166 = arith.constant 0 : i32
      %dma_wait3A_167 = arith.constant 0 : i32
      %dma_wait3A_168 = tpu.memref_slice %arg9[%dma_wait3A_165, %dma_wait3A_166, %dma_wait3A_167] : memref<4x128x64xf32, #tpu.memory_space<vmem>> -> memref<1x128x64xf32, #tpu.memory_space<vmem>>
      %dma_wait3A_169 = tpu.memref_squeeze %dma_wait3A_168 : memref<1x128x64xf32, #tpu.memory_space<vmem>> -> memref<128x64xf32, #tpu.memory_space<vmem>>
      %dma_wait3A_170 = arith.constant 0 : i32
      %dma_wait3A_171 = tpu.memref_slice %arg7[%add3A_164, %dma_wait3A_170] : memref<80x128xi32, #tpu.memory_space<vmem>> -> memref<1x128xi32, #tpu.memory_space<vmem>>
      %dma_wait3A_172 = tpu.memref_squeeze %dma_wait3A_171 : memref<1x128xi32, #tpu.memory_space<vmem>> -> memref<128xi32, #tpu.memory_space<vmem>>
      %dma_wait3A_173 = arith.constant 0 : i32
      %dma_wait3A_174 = arith.constant 0 : i32
      %dma_wait3A_175 = tpu.memref_slice %arg2[%dma_wait3A_173, %dma_wait3A_174] : memref<10000x64xf32, #tpu.memory_space<hbm>> -> memref<10000x64xf32, #tpu.memory_space<hbm>>
      tpu.wait_indirect_dma semaphore(%arg14 : memref<!tpu.dma_semaphore, #tpu.memory_space<semaphore_mem>>) src(%dma_wait3A_175 : memref<10000x64xf32, #tpu.memory_space<hbm>>) dst(%dma_wait3A_169 : memref<128x64xf32, #tpu.memory_space<vmem>>)
      %dma_start3A_176 = arith.constant 3 : i32
      %dma_start3A_177 = arith.constant 0 : i32
      %dma_start3A_178 = arith.constant 0 : i32
      %dma_start3A_179 = tpu.memref_slice %arg9[%dma_start3A_176, %dma_start3A_177, %dma_start3A_178] : memref<4x128x64xf32, #tpu.memory_space<vmem>> -> memref<1x128x64xf32, #tpu.memory_space<vmem>>
      %dma_start3A_180 = tpu.memref_squeeze %dma_start3A_179 : memref<1x128x64xf32, #tpu.memory_space<vmem>> -> memref<128x64xf32, #tpu.memory_space<vmem>>
      %dma_start3A_181 = arith.constant 0 : i32
      %dma_start3A_182 = tpu.memref_slice %arg8[%add3A_164, %dma_start3A_181] : memref<80x128xi32, #tpu.memory_space<vmem>> -> memref<1x128xi32, #tpu.memory_space<vmem>>
      %dma_start3A_183 = tpu.memref_squeeze %dma_start3A_182 : memref<1x128xi32, #tpu.memory_space<vmem>> -> memref<128xi32, #tpu.memory_space<vmem>>
      %dma_start3A_184 = arith.constant 0 : i32
      %dma_start3A_185 = arith.constant 0 : i32
      %dma_start3A_186 = tpu.memref_slice %arg10[%dma_start3A_184, %dma_start3A_185] : memref<10112x64xf32, #tpu.memory_space<vmem_shared>> -> memref<10112x64xf32, #tpu.memory_space<vmem_shared>>
      tpu.enqueue_indirect_dma source(%dma_start3A_180 : memref<128x64xf32, #tpu.memory_space<vmem>>) target(%dma_start3A_186 : memref<10112x64xf32, #tpu.memory_space<vmem_shared>>) offsets(%dma_start3A_183 : memref<128xi32, #tpu.memory_space<vmem>>) semaphore(%arg18 : memref<!tpu.dma_semaphore, #tpu.memory_space<semaphore_mem>>) {add = true}
      %add3A_187 = arith.constant 3 : i32
      %add3A_188 = arith.addi %add3A_164, %add3A_187 : i32
      %gt3A_189 = arith.constant 0 : i32
      %gt3A_190 = arith.cmpi sgt, %add3A_164, %gt3A_189 : i32
      %convert_element_type3A_191 = arith.extui %gt3A_190 : i1 to i32
      %cond3A_192 = arith.constant 0 : i32
      %cond3A_193 = arith.cmpi ne, %convert_element_type3A_191, %cond3A_192 : i32
      scf.if %cond3A_193 {
        %dma_wait3A_199 = arith.constant 2 : i32
        %dma_wait3A_200 = arith.constant 0 : i32
        %dma_wait3A_201 = arith.constant 0 : i32
        %dma_wait3A_202 = arith.constant 0 : i32
        %dma_wait3A_203 = tpu.memref_slice %arg9[%dma_wait3A_199, %dma_wait3A_201, %dma_wait3A_202] : memref<4x128x64xf32, #tpu.memory_space<vmem>> -> memref<1x128x64xf32, #tpu.memory_space<vmem>>
        %dma_wait3A_204 = tpu.memref_squeeze %dma_wait3A_203 : memref<1x128x64xf32, #tpu.memory_space<vmem>> -> memref<128x64xf32, #tpu.memory_space<vmem>>
        %dma_wait3A_205 = arith.constant 0 : i32
        %dma_wait3A_206 = tpu.memref_slice %arg8[%dma_wait3A_200, %dma_wait3A_205] : memref<80x128xi32, #tpu.memory_space<vmem>> -> memref<1x128xi32, #tpu.memory_space<vmem>>
        %dma_wait3A_207 = tpu.memref_squeeze %dma_wait3A_206 : memref<1x128xi32, #tpu.memory_space<vmem>> -> memref<128xi32, #tpu.memory_space<vmem>>
        %dma_wait3A_208 = arith.constant 0 : i32
        %dma_wait3A_209 = arith.constant 0 : i32
        %dma_wait3A_210 = tpu.memref_slice %arg10[%dma_wait3A_208, %dma_wait3A_209] : memref<10112x64xf32, #tpu.memory_space<vmem_shared>> -> memref<10112x64xf32, #tpu.memory_space<vmem_shared>>
        tpu.wait_indirect_dma semaphore(%arg17 : memref<!tpu.dma_semaphore, #tpu.memory_space<semaphore_mem>>) src(%dma_wait3A_204 : memref<128x64xf32, #tpu.memory_space<vmem>>) dst(%dma_wait3A_210 : memref<10112x64xf32, #tpu.memory_space<vmem_shared>>)
      } else {
      }
      %lt3A_194 = arith.constant 80 : i32
      %lt3A_195 = arith.cmpi slt, %add3A_188, %lt3A_194 : i32
      %convert_element_type3A_196 = arith.extui %lt3A_195 : i1 to i32
      %cond3A_197 = arith.constant 0 : i32
      %cond3A_198 = arith.cmpi ne, %convert_element_type3A_196, %cond3A_197 : i32
      scf.if %cond3A_198 {
        %dma_start3A_199 = arith.constant 2 : i32
        %dma_start3A_200 = arith.constant 0 : i32
        %dma_start3A_201 = arith.constant 0 : i32
        %dma_start3A_202 = tpu.memref_slice %arg9[%dma_start3A_199, %dma_start3A_200, %dma_start3A_201] : memref<4x128x64xf32, #tpu.memory_space<vmem>> -> memref<1x128x64xf32, #tpu.memory_space<vmem>>
        %dma_start3A_203 = tpu.memref_squeeze %dma_start3A_202 : memref<1x128x64xf32, #tpu.memory_space<vmem>> -> memref<128x64xf32, #tpu.memory_space<vmem>>
        %dma_start3A_204 = arith.constant 0 : i32
        %dma_start3A_205 = tpu.memref_slice %arg7[%add3A_188, %dma_start3A_204] : memref<80x128xi32, #tpu.memory_space<vmem>> -> memref<1x128xi32, #tpu.memory_space<vmem>>
        %dma_start3A_206 = tpu.memref_squeeze %dma_start3A_205 : memref<1x128xi32, #tpu.memory_space<vmem>> -> memref<128xi32, #tpu.memory_space<vmem>>
        %dma_start3A_207 = arith.constant 0 : i32
        %dma_start3A_208 = arith.constant 0 : i32
        %dma_start3A_209 = tpu.memref_slice %arg2[%dma_start3A_207, %dma_start3A_208] : memref<10000x64xf32, #tpu.memory_space<hbm>> -> memref<10000x64xf32, #tpu.memory_space<hbm>>
        tpu.enqueue_indirect_dma source(%dma_start3A_209 : memref<10000x64xf32, #tpu.memory_space<hbm>>) target(%dma_start3A_203 : memref<128x64xf32, #tpu.memory_space<vmem>>) offsets(%dma_start3A_206 : memref<128xi32, #tpu.memory_space<vmem>>) semaphore(%arg13 : memref<!tpu.dma_semaphore, #tpu.memory_space<semaphore_mem>>)
      } else {
      }
    }
    %scan3A_41 = arith.constant 20 : i32
    %dma_wait3A = arith.constant 3 : i32
    %dma_wait3A_42 = arith.constant 0 : i32
    %dma_wait3A_43 = arith.constant 0 : i32
    %dma_wait3A_44 = arith.constant 0 : i32
    %dma_wait3A_45 = tpu.memref_slice %arg9[%dma_wait3A, %dma_wait3A_43, %dma_wait3A_44] : memref<4x128x64xf32, #tpu.memory_space<vmem>> -> memref<1x128x64xf32, #tpu.memory_space<vmem>>
    %dma_wait3A_46 = tpu.memref_squeeze %dma_wait3A_45 : memref<1x128x64xf32, #tpu.memory_space<vmem>> -> memref<128x64xf32, #tpu.memory_space<vmem>>
    %dma_wait3A_47 = arith.constant 0 : i32
    %dma_wait3A_48 = tpu.memref_slice %arg8[%dma_wait3A_42, %dma_wait3A_47] : memref<80x128xi32, #tpu.memory_space<vmem>> -> memref<1x128xi32, #tpu.memory_space<vmem>>
    %dma_wait3A_49 = tpu.memref_squeeze %dma_wait3A_48 : memref<1x128xi32, #tpu.memory_space<vmem>> -> memref<128xi32, #tpu.memory_space<vmem>>
    %dma_wait3A_50 = arith.constant 0 : i32
    %dma_wait3A_51 = arith.constant 0 : i32
    %dma_wait3A_52 = tpu.memref_slice %arg10[%dma_wait3A_50, %dma_wait3A_51] : memref<10112x64xf32, #tpu.memory_space<vmem_shared>> -> memref<10112x64xf32, #tpu.memory_space<vmem_shared>>
    tpu.wait_indirect_dma semaphore(%arg18 : memref<!tpu.dma_semaphore, #tpu.memory_space<semaphore_mem>>) src(%dma_wait3A_46 : memref<128x64xf32, #tpu.memory_space<vmem>>) dst(%dma_wait3A_52 : memref<10112x64xf32, #tpu.memory_space<vmem_shared>>)
    %barrier3A_53 = arith.constant 0 : index
    tpu.barrier barrier_id(%barrier3A_53)
    "tpu.region"() ({
      %run_scoped3A = tpu.sem_alloc : memref<!tpu.dma_semaphore, #tpu.memory_space<semaphore_mem>>
      %dma_start3A_54 = arith.constant 0 : i32
      %dma_start3A_55 = tpu.memref_slice %arg6[%arg0, %mul3A_2, %dma_start3A_54] : memref<2x10112x64xf32, #tpu.memory_space<hbm>> -> memref<1x632x64xf32, #tpu.memory_space<hbm>>
      %dma_start3A_56 = tpu.memref_squeeze %dma_start3A_55 : memref<1x632x64xf32, #tpu.memory_space<hbm>> -> memref<632x64xf32, #tpu.memory_space<hbm>>
      %dma_start3A_57 = arith.constant 0 : i32
      %dma_start3A_58 = tpu.memref_slice %arg10[%mul3A_2, %dma_start3A_57] : memref<10112x64xf32, #tpu.memory_space<vmem_shared>> -> memref<632x64xf32, #tpu.memory_space<vmem_shared>>
      tpu.enqueue_dma source(%dma_start3A_58 : memref<632x64xf32, #tpu.memory_space<vmem_shared>>) target(%dma_start3A_56 : memref<632x64xf32, #tpu.memory_space<hbm>>) target_semaphore(%run_scoped3A : memref<!tpu.dma_semaphore, #tpu.memory_space<semaphore_mem>>)
      %dma_wait3A_59 = arith.constant 0 : i32
      %dma_wait3A_60 = tpu.memref_slice %arg6[%arg0, %mul3A_2, %dma_wait3A_59] : memref<2x10112x64xf32, #tpu.memory_space<hbm>> -> memref<1x632x64xf32, #tpu.memory_space<hbm>>
      %dma_wait3A_61 = tpu.memref_squeeze %dma_wait3A_60 : memref<1x632x64xf32, #tpu.memory_space<hbm>> -> memref<632x64xf32, #tpu.memory_space<hbm>>
      %dma_wait3A_62 = arith.constant 0 : i32
      %dma_wait3A_63 = tpu.memref_slice %arg10[%mul3A_2, %dma_wait3A_62] : memref<10112x64xf32, #tpu.memory_space<vmem_shared>> -> memref<632x64xf32, #tpu.memory_space<vmem_shared>>
      tpu.wait_dma2 semaphore(%run_scoped3A : memref<!tpu.dma_semaphore, #tpu.memory_space<semaphore_mem>>) src(%dma_wait3A_63 : memref<632x64xf32, #tpu.memory_space<vmem_shared>>) dst(%dma_wait3A_61 : memref<632x64xf32, #tpu.memory_space<hbm>>)
      tpu.yield
    }) : () -> ()
    return
  }
}

module attributes {stable_mosaic.version = 14 : i64} {
  func.func @body(%arg0: memref<10000x128xf32, #tpu.memory_space<vmem>>, %arg1: memref<2x10112x64xf32, #tpu.memory_space<vmem>>, %arg2: memref<2x10112x16xf32, #tpu.memory_space<vmem>>, %arg3: memref<128x128xf32, #tpu.memory_space<vmem>>, %arg4: memref<128x128xf32, #tpu.memory_space<vmem>>, %arg5: memref<1x128xf32, #tpu.memory_space<vmem>>, %arg6: memref<128x64xf32, #tpu.memory_space<vmem>>, %arg7: memref<128x64xf32, #tpu.memory_space<vmem>>, %arg8: memref<1x64xf32, #tpu.memory_space<vmem>>, %arg9: memref<10000x64xf32, #tpu.memory_space<vmem>>, %arg10: memref<10000x64xf32, #tpu.memory_space<vmem>>) attributes {dimension_semantics = [], scalar_prefetch = 0 : i64, scratch_operands = 0 : i64, tpu.core_type = #tpu.core_type<tc>} {
    %get3A = arith.constant 0 : index
    %get3A_0 = arith.constant 0 : index
    %get3A_1 = arith.constant 0 : index
    %get3A_2 = vector.load %arg2[%get3A, %get3A_0, %get3A_1] : memref<2x10112x16xf32, #tpu.memory_space<vmem>>, vector<1x10000x1xf32>
    %get3A_3 = vector.shape_cast %get3A_2 : vector<1x10000x1xf32> to vector<10000x1xf32>
    %get3A_4 = arith.constant 1 : index
    %get3A_5 = arith.constant 0 : index
    %get3A_6 = arith.constant 0 : index
    %get3A_7 = vector.load %arg2[%get3A_4, %get3A_5, %get3A_6] : memref<2x10112x16xf32, #tpu.memory_space<vmem>>, vector<1x10000x1xf32>
    %get3A_8 = vector.shape_cast %get3A_7 : vector<1x10000x1xf32> to vector<10000x1xf32>
    %add3A = arith.addf %get3A_3, %get3A_8 : vector<10000x1xf32>
    %max3A = arith.constant 1.000000e+00 : f32
    %max3A_9 = vector.broadcast %max3A : f32 to vector<10000x1xf32>
    %max3A_10 = arith.maximumf %add3A, %max3A_9 : vector<10000x1xf32>
    %div3A = arith.constant 1.000000e+00 : f32
    %div3A_11 = vector.broadcast %div3A : f32 to vector<10000x1xf32>
    %div3A_12 = arith.divf %div3A_11, %max3A_10 : vector<10000x1xf32>
    %get3A_13 = arith.constant 0 : index
    %get3A_14 = arith.constant 0 : index
    %get3A_15 = arith.constant 0 : index
    %get3A_16 = vector.load %arg1[%get3A_13, %get3A_14, %get3A_15] : memref<2x10112x64xf32, #tpu.memory_space<vmem>>, vector<1x10000x64xf32>
    %get3A_17 = vector.shape_cast %get3A_16 : vector<1x10000x64xf32> to vector<10000x64xf32>
    %get3A_18 = arith.constant 1 : index
    %get3A_19 = arith.constant 0 : index
    %get3A_20 = arith.constant 0 : index
    %get3A_21 = vector.load %arg1[%get3A_18, %get3A_19, %get3A_20] : memref<2x10112x64xf32, #tpu.memory_space<vmem>>, vector<1x10000x64xf32>
    %get3A_22 = vector.shape_cast %get3A_21 : vector<1x10000x64xf32> to vector<10000x64xf32>
    %concatenate3A = tpu.concatenate %get3A_17, %get3A_22 in 1 : vector<10000x64xf32>, vector<10000x64xf32> -> vector<10000x128xf32>
    %mul3A = vector.broadcast %div3A_12 : vector<10000x1xf32> to vector<10000x128xf32>
    %mul3A_23 = arith.mulf %concatenate3A, %mul3A : vector<10000x128xf32>
    %get3A_24 = arith.constant 0 : index
    %get3A_25 = arith.constant 0 : index
    %get3A_26 = vector.load %arg0[%get3A_24, %get3A_25] : memref<10000x128xf32, #tpu.memory_space<vmem>>, vector<10000x128xf32>
    %get3A_27 = arith.constant 0 : index
    %get3A_28 = arith.constant 0 : index
    %get3A_29 = vector.load %arg3[%get3A_27, %get3A_28] : memref<128x128xf32, #tpu.memory_space<vmem>>, vector<128x128xf32>
    %dot_general3A = arith.constant dense<0.000000e+00> : vector<10000x128xf32>
    %dot_general3A_30 = tpu.matmul %get3A_26, %get3A_29, %dot_general3A {dimension_numbers = #tpu.dot_dimension_numbers<[1], [0], [0], [1], [0, 0, 1, 1], [], []>, transpose_lhs_hint = false} : vector<10000x128xf32>, vector<128x128xf32>, vector<10000x128xf32> -> vector<10000x128xf32>
    %get3A_31 = arith.constant 0 : index
    %get3A_32 = arith.constant 0 : index
    %get3A_33 = vector.load %arg4[%get3A_31, %get3A_32] : memref<128x128xf32, #tpu.memory_space<vmem>>, vector<128x128xf32>
    %dot_general3A_34 = arith.constant dense<0.000000e+00> : vector<10000x128xf32>
    %dot_general3A_35 = tpu.matmul %mul3A_23, %get3A_33, %dot_general3A_34 {dimension_numbers = #tpu.dot_dimension_numbers<[1], [0], [0], [1], [0, 0, 1, 1], [], []>, transpose_lhs_hint = false} : vector<10000x128xf32>, vector<128x128xf32>, vector<10000x128xf32> -> vector<10000x128xf32>
    %add3A_36 = arith.addf %dot_general3A_30, %dot_general3A_35 : vector<10000x128xf32>
    %get3A_37 = arith.constant 0 : index
    %get3A_38 = arith.constant 0 : index
    %get3A_39 = vector.load %arg5[%get3A_37, %get3A_38] : memref<1x128xf32, #tpu.memory_space<vmem>>, vector<1x128xf32>
    %add3A_40 = vector.broadcast %get3A_39 : vector<1x128xf32> to vector<10000x128xf32>
    %add3A_41 = arith.addf %add3A_36, %add3A_40 : vector<10000x128xf32>
    %max3A_42 = arith.constant 0.000000e+00 : f32
    %max3A_43 = vector.broadcast %max3A_42 : f32 to vector<10000x128xf32>
    %max3A_44 = arith.maximumf %add3A_41, %max3A_43 : vector<10000x128xf32>
    %get3A_45 = arith.constant 0 : index
    %get3A_46 = arith.constant 0 : index
    %get3A_47 = vector.load %arg6[%get3A_45, %get3A_46] : memref<128x64xf32, #tpu.memory_space<vmem>>, vector<128x64xf32>
    %dot_general3A_48 = arith.constant dense<0.000000e+00> : vector<10000x64xf32>
    %dot_general3A_49 = tpu.matmul %max3A_44, %get3A_47, %dot_general3A_48 {dimension_numbers = #tpu.dot_dimension_numbers<[1], [0], [0], [1], [0, 0, 1, 1], [], []>, transpose_lhs_hint = false} : vector<10000x128xf32>, vector<128x64xf32>, vector<10000x64xf32> -> vector<10000x64xf32>
    %get3A_50 = arith.constant 0 : index
    %get3A_51 = arith.constant 0 : index
    %get3A_52 = vector.load %arg8[%get3A_50, %get3A_51] : memref<1x64xf32, #tpu.memory_space<vmem>>, vector<1x64xf32>
    %add3A_53 = vector.broadcast %get3A_52 : vector<1x64xf32> to vector<10000x64xf32>
    %add3A_54 = arith.addf %dot_general3A_49, %add3A_53 : vector<10000x64xf32>
    %swap3A = arith.constant 0 : index
    %swap3A_55 = arith.constant 0 : index
    %swap3A_56 = vector.load %arg9[%swap3A, %swap3A_55] : memref<10000x64xf32, #tpu.memory_space<vmem>>, vector<10000x64xf32>
    tpu.vector_store %arg9[%swap3A, %swap3A_55], %add3A_54 {strides = array<i32>} : memref<10000x64xf32, #tpu.memory_space<vmem>>, vector<10000x64xf32>,
    %get3A_57 = arith.constant 0 : index
    %get3A_58 = arith.constant 0 : index
    %get3A_59 = vector.load %arg7[%get3A_57, %get3A_58] : memref<128x64xf32, #tpu.memory_space<vmem>>, vector<128x64xf32>
    %dot_general3A_60 = arith.constant dense<0.000000e+00> : vector<10000x64xf32>
    %dot_general3A_61 = tpu.matmul %max3A_44, %get3A_59, %dot_general3A_60 {dimension_numbers = #tpu.dot_dimension_numbers<[1], [0], [0], [1], [0, 0, 1, 1], [], []>, transpose_lhs_hint = false} : vector<10000x128xf32>, vector<128x64xf32>, vector<10000x64xf32> -> vector<10000x64xf32>
    %swap3A_62 = arith.constant 0 : index
    %swap3A_63 = arith.constant 0 : index
    %swap3A_64 = vector.load %arg10[%swap3A_62, %swap3A_63] : memref<10000x64xf32, #tpu.memory_space<vmem>>, vector<10000x64xf32>
    tpu.vector_store %arg10[%swap3A_62, %swap3A_63], %dot_general3A_61 {strides = array<i32>} : memref<10000x64xf32, #tpu.memory_space<vmem>>, vector<10000x64xf32>,
    return
  }
}

module attributes {stable_mosaic.version = 14 : i64} {
  func.func @body(%arg0: memref<10000x64xf32, #tpu.memory_space<vmem>>, %arg1: memref<2x10112x64xf32, #tpu.memory_space<vmem>>, %arg2: memref<2x10112x16xf32, #tpu.memory_space<vmem>>, %arg3: memref<10000x64xf32, #tpu.memory_space<vmem>>) attributes {dimension_semantics = [], scalar_prefetch = 0 : i64, scratch_operands = 0 : i64, tpu.core_type = #tpu.core_type<tc>} {
    %get3A = arith.constant 0 : index
    %get3A_0 = arith.constant 0 : index
    %get3A_1 = arith.constant 0 : index
    %get3A_2 = vector.load %arg2[%get3A, %get3A_0, %get3A_1] : memref<2x10112x16xf32, #tpu.memory_space<vmem>>, vector<1x10000x1xf32>
    %get3A_3 = vector.shape_cast %get3A_2 : vector<1x10000x1xf32> to vector<10000x1xf32>
    %get3A_4 = arith.constant 1 : index
    %get3A_5 = arith.constant 0 : index
    %get3A_6 = arith.constant 0 : index
    %get3A_7 = vector.load %arg2[%get3A_4, %get3A_5, %get3A_6] : memref<2x10112x16xf32, #tpu.memory_space<vmem>>, vector<1x10000x1xf32>
    %get3A_8 = vector.shape_cast %get3A_7 : vector<1x10000x1xf32> to vector<10000x1xf32>
    %add3A = arith.addf %get3A_3, %get3A_8 : vector<10000x1xf32>
    %max3A = arith.constant 1.000000e+00 : f32
    %max3A_9 = vector.broadcast %max3A : f32 to vector<10000x1xf32>
    %max3A_10 = arith.maximumf %add3A, %max3A_9 : vector<10000x1xf32>
    %div3A = arith.constant 1.000000e+00 : f32
    %div3A_11 = vector.broadcast %div3A : f32 to vector<10000x1xf32>
    %div3A_12 = arith.divf %div3A_11, %max3A_10 : vector<10000x1xf32>
    %get3A_13 = arith.constant 0 : index
    %get3A_14 = arith.constant 0 : index
    %get3A_15 = vector.load %arg0[%get3A_13, %get3A_14] : memref<10000x64xf32, #tpu.memory_space<vmem>>, vector<10000x64xf32>
    %get3A_16 = arith.constant 0 : index
    %get3A_17 = arith.constant 0 : index
    %get3A_18 = arith.constant 0 : index
    %get3A_19 = vector.load %arg1[%get3A_16, %get3A_17, %get3A_18] : memref<2x10112x64xf32, #tpu.memory_space<vmem>>, vector<1x10000x64xf32>
    %get3A_20 = vector.shape_cast %get3A_19 : vector<1x10000x64xf32> to vector<10000x64xf32>
    %get3A_21 = arith.constant 1 : index
    %get3A_22 = arith.constant 0 : index
    %get3A_23 = arith.constant 0 : index
    %get3A_24 = vector.load %arg1[%get3A_21, %get3A_22, %get3A_23] : memref<2x10112x64xf32, #tpu.memory_space<vmem>>, vector<1x10000x64xf32>
    %get3A_25 = vector.shape_cast %get3A_24 : vector<1x10000x64xf32> to vector<10000x64xf32>
    %add3A_26 = arith.addf %get3A_20, %get3A_25 : vector<10000x64xf32>
    %mul3A = vector.broadcast %div3A_12 : vector<10000x1xf32> to vector<10000x64xf32>
    %mul3A_27 = arith.mulf %add3A_26, %mul3A : vector<10000x64xf32>
    %add3A_28 = arith.addf %get3A_15, %mul3A_27 : vector<10000x64xf32>
    %swap3A = arith.constant 0 : index
    %swap3A_29 = arith.constant 0 : index
    %swap3A_30 = vector.load %arg3[%swap3A, %swap3A_29] : memref<10000x64xf32, #tpu.memory_space<vmem>>, vector<10000x64xf32>
    tpu.vector_store %arg3[%swap3A, %swap3A_29], %add3A_28 {strides = array<i32>} : memref<10000x64xf32, #tpu.memory_space<vmem>>, vector<10000x64xf32>,
    return
  }
}

</mosaic_0001>

<sc_bundles>
// kernel: kernel.6.cloned.1.call-start
scs
__scs_entry_jumppad:
0x0: {  	(pc) =	sbr.rel $0x88, $3  }
0x1: {  	(tag) =	ssettag $0x0;
	lr =	simm.s32 $0x1  }
0x2: {  	[smem:$0x3F9B] =	sst lr;
	_ =	strace $0xD0000000  }
0x3: {  	_ = 	snop  }
0x4: {  	_ = 	snop  }
0x5: {  	_ = 	snop  }
0x6: {  	_ = 	snop  }
0x7: {  	_ = 	snop  }
__scs_overlays_trampoline_lowered:
0x8: {  	[smem:$0x3FAA] =	sst s0  }
0x9: {  	[smem:$0x3FAB] =	sst s1  }
0xa: {  	[smem:$0x3FAC] =	sst s2  }
0xb: {  	[smem:$0x3FAD] =	sst s3  }
0xc: {  	[smem:$0x3FAE] =	sst s4  }
0xd: {  	[smem:$0x3FAF] =	sst s5  }
0xe: {  	[smem:$0x3FB0] =	sst s6  }
0xf: {  	[smem:$0x3FB1] =	sst s7  }
0x10: {  	[smem:$0x3FB2] =	sst s8  }
0x11: {  	[smem:$0x3FB3] =	sst s9;
	s0 =	simm.s32 @!p0 $0x0  }
0x12: {  	s1 =	sld [smem:$0x3F99];
	s0 =	simm.s32 @p0 $0x1  }
0x13: {  	[smem:$0x3FB4] =	sst s0;
	s0 =	simm.s32 @!p1 $0x0  }
0x14: {  	s2 =	sld [smem:$0x3F98];
	s0 =	simm.s32 @p1 $0x1  }
0x15: {  	[smem:$0x3FB5] =	sst s0;
	s0 =	simm.s32 @!p2 $0x0  }
0x16: {  	s3 =	sld [smem:$0x3FDB];
	s0 =	simm.s32 @p2 $0x1  }
0x17: {  	s4 =	simm.s32 $0x1BF5;
	[smem:$0x3FB7] =	sst s0  }
0x18: {  	s0 =	sld [smem:$0x3F9A];
	_ =	swait.ge [sflag:s4], $0x0  }
0x19: {  	s7 =	sld [smem:$0x3F9B]  }
0x1a: {  	s8 =	sadd.s32 $0xFFFFE003, lr  }
0x1b: {  	s9 =	sadd.s32 $0xFFFFFEF7, lr;
	s5 =	simm.s32 $0xFFFFFFFF;
	p2 =	slt.u32 s8, $0xFFFFF086  }
0x1c: {  	p1 =	slt.u32 s9, $0xF7A;
	s5 =	simm.s32 @!p2 $0x0  }
0x1d: {  	s5 =	simm.s32 @p1 $0x1;
	p0 =	seq.s32 s7, s2  }
0x1e: {  	s7 =	smul.u32 @!p0 $0xF7A, s2;
	p2 =	seq.s32 @!p0 s5, $0x0  }
0x1f: {  	s9 =	smul.u32 $0xF7A, s1;
	s8 =	simm.s32 @!p0 $0x1BF5;
	p2 =	por !p2, p0  }
0x20: {  	[sflag:s8] =	ssyncset.s32 @!p0 $0xFFFFF086;
	s6 =	sadd.s32 @!p0 s3, s7;
	s7 =	simm.s32 @!p0 $0x108  }
0x21: {  	s3 =	sadd.s32 s3, s9;
	s6 =	sadd.s32 @!p0 $0x88, s6;
	s7 =	simm.s32 @p2 $0x1082  }
0x22: {  	[simem:s7], [sflag:s8] =	dma.local @!p0 [hbm:s6], $0xF7A  }
0x23: {  	s9 =	sor.u32 $0xD0000000, s2;
	s6 =	simm.s32 $0x108;
	_ =	swait.ge @!p0 [sflag:s8], $0x0  }
0x24: {  	s3 =	sadd.s32 $0x88, s3;
	s6 =	simm.s32 @!p1 $0x1082;
	[sflag:s4] =	ssyncset.s32 $0xFFFFF086  }
0x25: {  	[simem:s6], [sflag:s4] =	dma.local [hbm:s3], $0xF7A  }
0x26: {  	[smem:$0x3F9B] =	sst s1;
	(tag) =	ssettag s2;
	_ =	strace s9  }
0x27: {  	s1 =	sld [smem:$0x3FAB]  }
0x28: {  	s2 =	sld [smem:$0x3FAC]  }
0x29: {  	s4 =	sld [smem:$0x3FAE]  }
0x2a: {  	p0 =	seq.s32 s5, $0x0;
	s5 =	sld [smem:$0x3FAF]  }
0x2b: {  	s6 =	sld [smem:$0x3FB0]  }
0x2c: {  	s7 =	sld [smem:$0x3FB1]  }
0x2d: {  	s3 =	simm.s32 $0x108;
	s8 =	sld [smem:$0x3FB2]  }
0x2e: {  	s3 =	simm.s32 @!p0 $0x1082;
	s9 =	sld [smem:$0x3FB3]  }
0x2f: {  	lr =	sadd.s32 s0, s3;
	s0 =	sld [smem:$0x3FAA]  }
0x30: {  	s3 =	sld [smem:$0x3FAD]  }
0x31: {  	[smem:$0x3FB6] =	sst s10  }
0x32: {  	s10 =	sld [smem:$0x3FB4];
	_ =	sdelay $0x3  }
0x33: {  	p0 =	seq.s32 s10, $0x1;
	s10 =	sld [smem:$0x3FB6];
	_ =	sdelay $0x3  }
0x34: {  	[smem:$0x3FB6] =	sst s10  }
0x35: {  	s10 =	sld [smem:$0x3FB5];
	_ =	sdelay $0x3  }
0x36: {  	p1 =	seq.s32 s10, $0x1;
	s10 =	sld [smem:$0x3FB6];
	_ =	sdelay $0x3  }
0x37: {  	[smem:$0x3FB6] =	sst s10  }
0x38: {  	s10 =	sld [smem:$0x3FB7]  }
0x39: {  	_ = 	snop;
	(pc) =	sbr.ind lr, $3  }
0x3a: {  	_ = 	snop  }
0x3b: {  	_ = 	snop  }
0x3c: {  	p2 =	seq.s32 s10, $0x1;
	s10 =	sld [smem:$0x3FB6]  }
0x3d: {  	_ =	shalt  }
0x3e: {  	_ =	shalt  }
0x3f: {  	_ =	shalt  }
0x40: {  	_ =	shalt  }
0x41: {  	_ =	shalt  }
0x42: {  	_ =	shalt  }
0x43: {  	_ =	shalt  }
0x44: {  	_ =	shalt  }
0x45: {  	_ =	shalt  }
0x46: {  	_ =	shalt  }
0x47: {  	_ =	shalt  }
0x48: {  	_ =	shalt  }
0x49: {  	_ =	shalt  }
0x4a: {  	_ =	shalt  }
0x4b: {  	_ =	shalt  }
0x4c: {  	_ =	shalt  }
0x4d: {  	_ =	shalt  }
0x4e: {  	_ =	shalt  }
0x4f: {  	_ =	shalt  }
0x50: {  	_ =	shalt  }
0x51: {  	_ =	shalt  }
0x52: {  	_ =	shalt  }
0x53: {  	_ =	shalt  }
0x54: {  	_ =	shalt  }
0x55: {  	_ =	shalt  }
0x56: {  	_ =	shalt  }
0x57: {  	_ =	shalt  }
0x58: {  	_ =	shalt  }
0x59: {  	_ =	shalt  }
0x5a: {  	_ =	shalt  }
0x5b: {  	_ =	shalt  }
0x5c: {  	_ =	shalt  }
0x5d: {  	_ =	shalt  }
0x5e: {  	_ =	shalt  }
0x5f: {  	_ =	shalt  }
0x60: {  	_ =	shalt  }
0x61: {  	_ =	shalt  }
0x62: {  	_ =	shalt  }
0x63: {  	_ =	shalt  }
0x64: {  	_ =	shalt  }
0x65: {  	_ =	shalt  }
0x66: {  	_ =	shalt  }
0x67: {  	_ =	shalt  }
0x68: {  	_ =	shalt  }
0x69: {  	_ =	shalt  }
0x6a: {  	_ =	shalt  }
0x6b: {  	_ =	shalt  }
0x6c: {  	_ =	shalt  }
0x6d: {  	_ =	shalt  }
0x6e: {  	_ =	shalt  }
0x6f: {  	_ =	shalt  }
0x70: {  	_ =	shalt  }
0x71: {  	_ =	shalt  }
0x72: {  	_ =	shalt  }
0x73: {  	_ =	shalt  }
0x74: {  	_ =	shalt  }
0x75: {  	_ =	shalt  }
0x76: {  	_ =	shalt  }
0x77: {  	_ =	shalt  }
0x78: {  	_ =	shalt  }
0x79: {  	_ =	shalt  }
0x7a: {  	_ =	shalt  }
0x7b: {  	_ =	shalt  }
0x7c: {  	_ =	shalt  }
0x7d: {  	_ =	shalt  }
0x7e: {  	_ =	shalt  }
0x7f: {  	_ =	shalt  }
0x80: {  	_ =	shalt  }
0x81: {  	_ =	shalt  }
0x82: {  	_ =	shalt  }
0x83: {  	_ =	shalt  }
0x84: {  	_ =	shalt  }
0x85: {  	_ =	shalt  }
0x86: {  	_ =	shalt  }
0x87: {  	_ =	shalt  }
.Lfunc_end0:
.L_simem_size_0:
called_computation_lowered:
.L_overlay_start_0:
0x88: {  	s2 =	sld [smem:$0x3FD9]  }
0x89: {  	s3 =	sld [smem:$0x3FFE];
	_ =	sdelay $0x1  }
0x8a: {  	s1 =	srdreg.scid  }
0x8b: {  	s0 =	sand.u32 $0x1, s1  }
0x8c: {  	s17 =	sshll.u32 s0, $0xA;
	s2 =	sadd.s32 s3, s2  }
0x8d: {  	s2 =	sadd.s32 s2, s17  }
0x8e: {  	[smem:$0x3FC2] =	sst s2  }
0x8f: {  	_ = 	snop  }
0x90: {  	s2 =	sld [smem:$0x3FC9]  }
0x91: {  	s18 =	sld [smem:$0x3FD0];
	(tm) =	ssettm $0x1  }
0x92: {  	s4 =	sld [smem:$0x3FFB];
	_ =	sdelay $0x3  }
0x93: {  	_ =	strace s4  }
0x94: {  	s4 =	sld [smem:$0x3FFC];
	_ =	sdelay $0x3  }
0x95: {  	_ =	strace s4  }
0x96: {  	s4 =	sld [smem:$0x3FFD];
	_ =	sdelay $0x3  }
0x97: {  	_ =	strace s4  }
0x98: {  	_ =	strace $0x8FFFFFFF  }
0x99: {  	s19 =	sld [smem:$0x3FDB];
	_ =	sdelay $0x1  }
0x9a: {  	s5 =	simm.s32 $_scs_section_size  }
0x9b: {  	s6 =	simm.s32 $_size__tile_overlayer_lowered;
	s7 =	simm.s32 $_tile_overlayer_lowered  }
0x9c: {  	s22 =	simm.s32 $0x1BFF;
	s21 =	sshll.u32 s7, $0x1;
	s4 =	sadd.s32 s5, s19  }
0x9d: {  	s8 =	simm.s32 $0x0;
	s20 =	sshll.u32 s6, $0x1;
	s6 =	sadd.s32 s21, s4  }
0x9e: {  	[timem:s8], [sflag:s22] =	dma.local [hbm:s6], s20  }
0x9f: {  	_ =	swait.ge [sflag:s22], s20  }
0xa0: {  	s5 =	ssub.s32 $0x0, s20;
	[sflag:s22] =	ssyncset.done $0x0  }
0xa1: {  	[sflag:s22] =	ssyncadd.s32 s5;
	_ =	sdelay $0x1  }
0xa2: {  	s23 =	simm.s32 $0x1B8B  }
0xa3: {  	_ =	swait.ge [sflag:s23], $0x1  }
0xa4: {  	[sflag:s23] =	ssyncset.done $0x0  }
0xa5: {  	s25 =	simm.s32 $0x1B8E;
	s24 =	sld [smem:$0x3FFE];
	[sflag:s23] =	ssyncadd.s32 $0xFFFFFFFF  }
0xa6: {  	s26 =	simm.s32 $execute0_lowered;
	[smem:$0x3FD2] =	sst s25  }
0xa7: {  	s6 =	sshll.u32 s26, $0x1;
	_ =	strace $0x80000046;
	[dreg:$0x1] =	wrdreg $0xFFFFFFFF  }
0xa8: {  	s28 =	simm.s32 $_size_execute0_lowered;
	s4 =	sadd.s32 s4, s6;
	[dreg:$0x0] =	wrdreg $0x0  }
0xa9: {  	s6 =	sshll.u32 s28, $0x1;
	[dreg:$0x2] =	wrdreg s4  }
0xaa: {  	[dreg:$0x3] =	wrdreg s6  }
0xab: {  	[dreg:$0x4] =	wrdreg $0xC0  }
0xac: {  	_ =	task [dreg:s8], $0x5FFFF  }
0xad: {  	[dreg:$0x1] =	wrdreg $0xFFFFFFFF  }
0xae: {  	[dreg:$0x0] =	wrdreg $0x60  }
0xaf: {  	[dreg:$0x2] =	wrdreg s2  }
0xb0: {  	[dreg:$0x3] =	wrdreg s24  }
0xb1: {  	[dreg:$0x4] =	wrdreg s18  }
0xb2: {  	[dreg:$0x5] =	wrdreg $0x128000  }
0xb3: {  	[dreg:$0x6] =	wrdreg $0x1C6000  }
0xb4: {  	[dreg:$0x7] =	wrdreg $0x9  }
0xb5: {  	_ =	task.clear_ibuf [dreg:s8], $0x8FFFF;
	_ =	strace $0x90000046  }
0xb6: {  	s29 =	simm.s32 $0x9;
	_ =	strace $0x80000048  }
0xb7: {  	_ =	swait.ge [sflag:s29], $0x1  }
0xb8: {  	[sflag:s29] =	ssyncadd.s32 $0xFFFFFFFF  }
0xb9: {  	_ =	strace $0x90000048  }
0xba: {  	_ =	sfence  }
0xbb: {  	s30 =	sld [smem:$0x0];
	_ =	sdelay $0x2  }
0xbc: {  	s31 =	sshll.u32 s1, $0xD;
	s1 =	sshrl.u32 s1, $0x2  }
0xbd: {  	s3 =	sand.u32 $0x4000, s31;
	s1 =	sadd.s32 s1, s30  }
0xbe: {  	s0 =	sor.u32 s3, s0;
	s1 =	sshll.u32 s1, $0x11  }
0xbf: {  	s0 =	sor.u32 s1, s0  }
0xc0: {  	s0 =	sadd.s32 $0x8F2B, s0  }
0xc1: {  	[sflag:s0] =	ssyncadd.remote.s32 $0x1  }
0xc2: {  	_ =	sfence.sel $0xFFFF  }
0xc3: {  	[dreg:$0x0] =	wrdreg $0xFFFFFFFF;
	(pc) =	sbr.abs _section_cstart, $3  }
0xc4: {  	[dreg:$0x1] =	wrdreg $0xFFFFFFFF  }
0xc5: {  	_ =	task.clear_ibuf [dreg:s8], $0x2FFFF;
	_ =	strace $0x9FFFFFFF  }
0xc6: {  	(tm) =	ssettm $0x7FFFFFFF  }
0xc7: {  	_ =	shalt  }
tec
execute0_lowered:
.L_overlay_start_1:
0x0: {  	(tag) =	ssettag $0x1  }
0x1: {  	s1 =	rddreg [dreg:$0x0]  }
0x2: {  	s0 =	rddreg [dreg:$0x1]  }
0x3: {  	s2 =	rddreg [dreg:$0x2]  }
0x4: {  	s3 =	rddreg [dreg:$0x3]  }
0x5: {  	s4 =	rddreg [dreg:$0x4]  }
0x6: {  	s5 =	stileid.u32;
	s7 =	srdreg.scid;
	s9 =	simm.s32 $0x0  }
0x7: {  	s28 =	simm.s32 $0x2;
	s29 =	simm.s32 $0x5;
	s30 =	simm.s32 $0x3  }
0x8: {  	s31 =	simm.s32 $0x6;
	s6 =	smul.u32 $0xA00, s5;
	s7 =	sand.u32 $0x1, s7  }
0x9: {  	s8 =	smul.u32 $0x9E00, s5;
	[smem:$0x7FF] =	sst s9;
	s10 =	sadd.s32 $0x16000, s0  }
0xa: {  	s17 =	sadd.s32 $0x15A00, s0;
	_ =	strace $0x80000047;
	[dreg:$0x6] =	wrdreg s10  }
0xb: {  	s18 =	sadd.s32 $0x15800, s0;
	s11 =	smul.u32 $0x2780, s5;
	[dreg:$0x7] =	wrdreg s17  }
0xc: {  	s21 =	sshll.u32 s5, $0x6;
	s16 =	smul.u32 $0x9E000, s7;
	[dreg:$0x8] =	wrdreg s18  }
0xd: {  	s19 =	ssub.s32 $0x2, s7;
	s12 =	smul.u32 $0x27800, s7;
	p0 =	sne.s32 s7, $0x0  }
0xe: {  	p1 =	seq.s32 s7, $0x0;
	s6 =	sadd.s32 s6, s0;
	s20 =	sshrl.u32 s19, $0x1  }
0xf: {  	s17 =	sadd.s32 s11, s4;
	s9 =	sadd.s32 s8, s16;
	s14 =	ssub.s32 s19, s20  }
0x10: {  	s8 =	sadd.s32 s8, s3;
	s12 =	sadd.s32 s11, s12;
	s22 =	sadd.s32 $0x1800, s6  }
0x11: {  	s23 =	sadd.s32 $0xB800, s6;
	s16 =	simm.s32 $0xB;
	s17 =	sshrl.u32 s17, $0x3  }
0x12: {  	s20 =	simm.s32 $0x80;
	s6 =	simm.s32 $0x0;
	[dreg:$0x9] =	wrdreg s22  }
0x13: {  	s9 =	sshrl.u32 s9, $0x3;
	[dreg:$0xa] =	wrdreg s23;
	s24 =	sshrl.u32 s12, $0x3  }
0x14: {  	s26 =	smax.u32 s14, $0x1;
	s15 =	sshrl.u32 s8, $0x3;
	s22 =	simm.s32 $0xC000  }
.Ltmp0:
0x15: {  	s23 =	simm.s32 $0xA;
	s0 =	sadd.s32 s9, s0;
	(pc) =	sbr.rel .LBB2_1-.Ltmp0, $4  }
0x16: {  	s9 =	sor.u32 $0x1C0B, s21;
	s25 =	sadd.s32 s2, s24;
	[dreg:$0xd] =	wrdreg s26  }
0x17: {  	s21 =	simm.s32 $0xA000;
	s24 =	simm.s32 $0xE000;
	s26 =	simm.s32 $0x10000  }
0x18: {  	s2 =	simm.s32 $0x7;
	s0 =	sadd.s32 $0x17400, s0;
	[dreg:$0xc] =	wrdreg s25  }
0x19: {  	v0 =	vmov s7;
	s25 =	simm.s32 $0x1;
	[dreg:$0xb] =	wrdreg s0;
	s0 =	simm.s32 $0x4  }
.LBB2_6:
0x1a: {  	s5 =	simm.s32 $0x8  }
0x1b: {  	_ =	swait.ge [sflag:s5], $0x2000  }
0x1c: {  	[sflag:s5] =	ssyncset.done $0x0  }
0x1d: {  	s13 =	simm.s32 $0x9;
	[sflag:s5] =	ssyncadd.s32 $0xFFFFE000  }
0x1e: {  	_ =	swait.ge [sflag:s13], $0x800  }
0x1f: {  	[sflag:s13] =	ssyncset.done $0x0  }
0x20: {  	[sflag:s13] =	ssyncadd.s32 $0xFFFFF800  }
0x21: {  	_ =	swait.ge [sflag:s23], $0x800  }
0x22: {  	[sflag:s23] =	ssyncset.done $0x0  }
0x23: {  	[sflag:s23] =	ssyncadd.s32 $0xFFFFF800  }
0x24: {  	[bflag:$0x0] =	sbarrier.arrive $0xFFFF  }
0x25: {  	s14 =	rddreg [dreg:$0xb]  }
0x26: {  	[hbm:s14], [sflag:s9] =	dma.local [spmem:s15], $0x13C0  }
0x27: {  	_ =	swait.ge [sflag:s16], $0x13C0  }
0x28: {  	[sflag:s16] =	ssyncset.done $0x0  }
0x29: {  	s18 =	rddreg [dreg:$0xc];
	[sflag:s16] =	ssyncadd.s32 $0xFFFFEC40  }
0x2a: {  	[hbm:s18], [sflag:s9] =	dma.local [spmem:s17], $0x4F0  }
0x2b: {  	_ =	swait.ge [sflag:s16], $0x4F0  }
0x2c: {  	s6 =	sadd.s32 $0x1, s6;
	s19 =	rddreg [dreg:$0xd]  }
0x2d: {  	p2 =	sne.s32 s6, s19  }
.Ltmp1:
0x2e: {  	_ = 	snop;
	(pc) =	sbr.rel @!p2 .LBB2_7-.Ltmp1, $3  }
0x2f: {  	_ =	sdelay $0x1  }
0x30: {  	[sflag:s16] =	ssyncset.done $0x0  }
0x31: {  	[sflag:s16] =	ssyncadd.s32 $0xFFFFFB10  }
.LBB2_1:
0x32: {  	s5 =	rddreg [dreg:$0x6]  }
0x33: {  	[spmem:s15], [sflag:s9] =	dma.local [hbm:s5], $0x13C0  }
0x34: {  	_ =	swait.ge [sflag:s16], $0x13C0  }
0x35: {  	[sflag:s16] =	ssyncset.done $0x0  }
0x36: {  	s12 =	rddreg [dreg:$0x7];
	[sflag:s16] =	ssyncadd.s32 $0xFFFFEC40  }
0x37: {  	[spmem:s17], [sflag:s9] =	dma.local [hbm:s12], $0x4F0  }
0x38: {  	_ =	swait.ge [sflag:s16], $0x4F0  }
0x39: {  	s13 =	simm.s32 $0x0;
	[sflag:s16] =	ssyncset.done $0x0  }
0x3a: {  	s8 =	simm.s32 $0x12000;
	s7 =	rddreg [dreg:$0x8];
	[sflag:s16] =	ssyncadd.s32 $0xFFFFFB10  }
0x3b: {  	[tilespmem:s8], [sflag:$0xB] =	stream.linear.gather [hbm4b:s7+s13], $0x800, $0x38;
	[tilespmem:$0x1ED80] =	vst v63  }
0x3c: {  	_ =	swait.ge [sflag:s16], $0x800  }
0x3d: {  	[sflag:s16] =	ssyncset.done $0x0  }
0x3e: {  	s14 =	rddreg [dreg:$0x9];
	[sflag:s16] =	ssyncadd.s32 $0xFFFFF800  }
0x3f: {  	[tilespmem:s13], [sflag:$0xB] =	stream.linear.gather [hbm4b:s14+s13], $0x5000, $0x38;
	[tilespmem:$0x1ED80] =	vst v63  }
0x40: {  	_ =	swait.ge [sflag:s16], $0x5000  }
0x41: {  	[sflag:s16] =	ssyncset.done $0x0  }
0x42: {  	s19 =	simm.s32 $0x5000;
	s18 =	rddreg [dreg:$0xa];
	[sflag:s16] =	ssyncadd.s32 $0xFFFFB000  }
0x43: {  	[tilespmem:s19], [sflag:$0xB] =	stream.linear.gather [hbm4b:s18+s13], $0x5000, $0x38;
	[tilespmem:$0x1ED80] =	vst v63  }
0x44: {  	_ =	swait.ge [sflag:s16], $0x5000  }
0x45: {  	[sflag:s16] =	ssyncset.done $0x0  }
0x46: {  	s7 =	simm.s32 $0x0;
	[sflag:s16] =	ssyncadd.s32 $0xFFFFB000  }
0x47: {  	v2 =	vld [tilespmem:s7+$0x0]  }
0x48: {  	v3 =	vld [tilespmem:s7+$0x10]  }
0x49: {  	v5 =	vld [tilespmem:s7+$0x20]  }
0x4a: {  	v4 =	vld [tilespmem:s7+$0x30]  }
0x4b: {  	v1 =	vld [tilespmem:s7+$0x40]  }
0x4c: {  	v6 =	vshll.u32 v2, $0x1;
	v2 =	vld [tilespmem:s7+$0x50]  }
0x4d: {  	s8 =	simm.s32 $0x200;
	v7 =	vshll.u32 v3, $0x1;
	v3 =	vld [tilespmem:s7+$0x60];
	v6 =	vor.u32 v0, v6  }
.LBB2_2:
0x4e: {  	s10 =	sshra.s32 s8, $0x2;
	p2 =	sne.s32 s8, $0x13E00;
	[tilespmem:s7+$0x0] =	vst v6;
	v6 =	vor.u32 v0, v7;
	v5 =	vshll.u32 v5, $0x1;
	v7 =	vld [tilespmem:s7+$0x70]  }
0x4f: {  	v8 =	vld [tilespmem:s10+$0x0];
	[tilespmem:s7+$0x10] =	vst v6;
	v5 =	vor.u32 v0, v5;
	v4 =	vshll.u32 v4, $0x1  }
0x50: {  	v9 =	vld [tilespmem:s10+$0x10];
	[tilespmem:s7+$0x20] =	vst v5;
	v4 =	vor.u32 v0, v4;
	v1 =	vshll.u32 v1, $0x1  }
.Ltmp2:
0x51: {  	v5 =	vld [tilespmem:s10+$0x20];
	[tilespmem:s7+$0x30] =	vst v4;
	v1 =	vor.u32 v0, v1;
	v2 =	vshll.u32 v2, $0x1;
	(pc) =	sbr.rel @p2 .LBB2_2-.Ltmp2, $4  }
0x52: {  	v4 =	vld [tilespmem:s10+$0x30];
	[tilespmem:s7+$0x40] =	vst v1;
	v2 =	vor.u32 v0, v2;
	v3 =	vshll.u32 v3, $0x1  }
0x53: {  	v1 =	vld [tilespmem:s10+$0x40];
	[tilespmem:s7+$0x50] =	vst v2;
	v3 =	vor.u32 v0, v3;
	v6 =	vshll.u32 v7, $0x1  }
0x54: {  	v7 =	vshll.u32 v8, $0x1;
	v2 =	vld [tilespmem:s10+$0x50];
	[tilespmem:s7+$0x60] =	vst v3;
	v8 =	vor.u32 v0, v6  }
0x55: {  	s8 =	sadd.s32 $0x200, s8;
	v6 =	vor.u32 v0, v7;
	v7 =	vshll.u32 v9, $0x1;
	v3 =	vld [tilespmem:s10+$0x60];
	[tilespmem:s7+$0x70] =	vst v8;
	s7 =	smov.u32 s10  }
0x56: {  	[tilespmem:s7+$0x0] =	vst v6;
	v62 =	vor.u32 v0, v7;
	v5 =	vshll.u32 v5, $0x1;
	v63 =	vld [tilespmem:s7+$0x70]  }
0x57: {  	[tilespmem:s7+$0x10] =	vst v62;
	v5 =	vor.u32 v0, v5;
	v4 =	vshll.u32 v4, $0x1  }
0x58: {  	[tilespmem:s7+$0x20] =	vst v5;
	v4 =	vor.u32 v0, v4;
	v1 =	vshll.u32 v1, $0x1  }
0x59: {  	[tilespmem:s7+$0x30] =	vst v4;
	v1 =	vor.u32 v0, v1;
	v2 =	vshll.u32 v2, $0x1  }
0x5a: {  	[tilespmem:s7+$0x40] =	vst v1;
	v1 =	vor.u32 v0, v2;
	v2 =	vshll.u32 v3, $0x1  }
0x5b: {  	[tilespmem:s7+$0x50] =	vst v1;
	v1 =	vor.u32 v0, v2;
	v2 =	vshll.u32 v63, $0x1  }
0x5c: {  	[tilespmem:s7+$0x60] =	vst v1;
	v1 =	vor.u32 v0, v2  }
0x5d: {  	[tilespmem:s7+$0x70] =	vst v1  }
0x5e: {  	s7 =	simm.s32 $0x0;
	[bflag:$0x0] =	sbarrier.arrive $0xFFFF  }
0x5f: {  	[tilespmem:s21], [sflag:$0x1] =	stream.indirect.gather [hbm4b:s1+s20], $0x40, s7, s20, $0xb8;
	[tilespmem:$0x1ED80] =	vst v63  }
0x60: {  	_ = 	snop  }
0x61: {  	[tilespmem:s22], [sflag:$0x2] =	stream.indirect.gather [hbm4b:s1+s20], $0x40, s20, s20, $0xb8;
	[tilespmem:$0x1ED80] =	vst v63  }
0x62: {  	s5 =	simm.s32 $0x100  }
0x63: {  	[tilespmem:s24], [sflag:$0x3] =	stream.indirect.gather [hbm4b:s1+s20], $0x40, s5, s20, $0xb8;
	[tilespmem:$0x1ED80] =	vst v63  }
.LBB2_4:
0x64: {  	_ =	swait.ge [sflag:s25], $0x2000;
	p2 =	seq.s32 @!p0 s7, $0x0  }
0x65: {  	s8 =	sshra.s32 s7, $0x2;
	[sflag:s25] =	ssyncset.done $0x0;
	p2 =	por p2, p0  }
0x66: {  	s10 =	sadd.s32 $0x5000, s8;
	[sflag:s25] =	ssyncadd.s32 $0xFFFFE000;
	s11 =	simm.s32 @!p2 $0x9  }
0x67: {  	[spmem:s3] =	stream.indirect.scatter.add.f32 [tilespmem:s21], [sflag:$0x5], $0x40, s10, s20, $0xb8;
	[tilespmem:$0x1ED80] =	vst v63  }
0x68: {  	_ =	swait.ge @!p2 [sflag:s11], $0x800  }
0x69: {  	s12 =	simm.s32 @!p0 $0x12000;
	[sflag:s11] =	ssyncset.done @!p2 $0x0  }
0x6a: {  	p3 =	seq.s32 s7, $0x0;
	[sflag:s11] =	ssyncadd.s32 @!p2 $0xFFFFF800;
	s11 =	simm.s32 @!p0 $0x80  }
0x6b: {  	[spmem:s4] =	stream.indirect.scatter.add.f32 @!p0 [tilespmem:s12], [sflag:$0x9], $0x10, s10, s11, $0xb8;
	[tilespmem:$0x1ED80] =	vst v63  }
0x6c: {  	s10 =	simm.s32 @!p3 $0x8  }
0x6d: {  	_ =	swait.ge @!p3 [sflag:s10], $0x2000  }
0x6e: {  	[sflag:s10] =	ssyncset.done @!p3 $0x0  }
0x6f: {  	s19 =	sadd.s32 $0x180, s8;
	[sflag:s10] =	ssyncadd.s32 @!p3 $0xFFFFE000  }
0x70: {  	[tilespmem:s26], [sflag:$0x4] =	stream.indirect.gather [hbm4b:s1+s20], $0x40, s19, s20, $0xb8;
	[tilespmem:$0x1ED80] =	vst v63  }
0x71: {  	p3 =	seq.s32 @!p1 s7, $0x0;
	_ =	swait.ge [sflag:s28], $0x2000  }
0x72: {  	p3 =	por p3, p1;
	[sflag:s28] =	ssyncset.done $0x0  }
0x73: {  	s10 =	sadd.s32 $0x5080, s8;
	s13 =	simm.s32 @!p3 $0x9;
	[sflag:s28] =	ssyncadd.s32 $0xFFFFE000  }
0x74: {  	[spmem:s3] =	stream.indirect.scatter.add.f32 [tilespmem:s22], [sflag:$0x6], $0x40, s10, s20, $0xb8;
	[tilespmem:$0x1ED80] =	vst v63  }
0x75: {  	_ =	swait.ge @!p3 [sflag:s13], $0x800  }
0x76: {  	[sflag:s13] =	ssyncset.done @!p3 $0x0  }
0x77: {  	s14 =	simm.s32 @!p1 $0x12000;
	[sflag:s13] =	ssyncadd.s32 @!p3 $0xFFFFF800;
	s13 =	simm.s32 @!p1 $0x80  }
0x78: {  	[spmem:s4] =	stream.indirect.scatter.add.f32 @!p1 [tilespmem:s14], [sflag:$0x9], $0x10, s10, s13, $0xb8;
	[tilespmem:$0x1ED80] =	vst v63  }
0x79: {  	p4 =	seq.s32 s7, $0x13800;
	_ =	swait.ge [sflag:s29], $0x2000  }
0x7a: {  	s18 =	simm.s32 @!p4 $0x80;
	s10 =	sshra.s32 @!p4 s7, $0x2;
	[sflag:s29] =	ssyncset.done $0x0  }
0x7b: {  	s19 =	simm.s32 @!p4 $0xA000;
	s5 =	sadd.s32 @!p4 $0x200, s10;
	[sflag:s29] =	ssyncadd.s32 $0xFFFFE000  }
0x7c: {  	[tilespmem:s19], [sflag:$0x1] =	stream.indirect.gather @!p4 [hbm4b:s1+s18], $0x40, s5, s18, $0xb8;
	[tilespmem:$0x1ED80] =	vst v63  }
0x7d: {  	_ =	swait.ge [sflag:s30], $0x2000  }
0x7e: {  	[sflag:s30] =	ssyncset.done $0x0  }
0x7f: {  	s5 =	sadd.s32 $0x5100, s8;
	s19 =	simm.s32 @!p2 $0xA;
	[sflag:s30] =	ssyncadd.s32 $0xFFFFE000  }
0x80: {  	[spmem:s3] =	stream.indirect.scatter.add.f32 [tilespmem:s24], [sflag:$0x7], $0x40, s5, s20, $0xb8;
	[tilespmem:$0x1ED80] =	vst v63  }
0x81: {  	_ =	swait.ge @!p2 [sflag:s19], $0x800  }
0x82: {  	[sflag:s19] =	ssyncset.done @!p2 $0x0  }
0x83: {  	[sflag:s19] =	ssyncadd.s32 @!p2 $0xFFFFF800  }
0x84: {  	[spmem:s4] =	stream.indirect.scatter.add.f32 @!p0 [tilespmem:s12], [sflag:$0xA], $0x10, s5, s11, $0xb8;
	[tilespmem:$0x1ED80] =	vst v63  }
0x85: {  	_ =	swait.ge [sflag:s31], $0x2000  }
0x86: {  	[sflag:s31] =	ssyncset.done $0x0  }
0x87: {  	s5 =	sadd.s32 @!p4 $0x280, s10;
	s10 =	simm.s32 @!p4 $0xC000;
	[sflag:s31] =	ssyncadd.s32 $0xFFFFE000  }
0x88: {  	[tilespmem:s10], [sflag:$0x2] =	stream.indirect.gather @!p4 [hbm4b:s1+s18], $0x40, s5, s18, $0xb8;
	[tilespmem:$0x1ED80] =	vst v63  }
0x89: {  	_ =	swait.ge [sflag:s0], $0x2000  }
0x8a: {  	[sflag:s0] =	ssyncset.done $0x0  }
0x8b: {  	s5 =	sadd.s32 $0x5180, s8;
	s10 =	simm.s32 @!p3 $0xA;
	[sflag:s0] =	ssyncadd.s32 $0xFFFFE000  }
0x8c: {  	[spmem:s3] =	stream.indirect.scatter.add.f32 [tilespmem:s26], [sflag:$0x8], $0x40, s5, s20, $0xb8;
	[tilespmem:$0x1ED80] =	vst v63  }
0x8d: {  	_ =	swait.ge @!p3 [sflag:s10], $0x800  }
0x8e: {  	[sflag:s10] =	ssyncset.done @!p3 $0x0  }
.Ltmp3:
0x8f: {  	[sflag:s10] =	ssyncadd.s32 @!p3 $0xFFFFF800;
	(pc) =	sbr.rel @p4 .LBB2_6-.Ltmp3, $4  }
0x90: {  	[spmem:s4] =	stream.indirect.scatter.add.f32 @!p1 [tilespmem:s14], [sflag:$0xA], $0x10, s5, s13, $0xb8;
	[tilespmem:$0x1ED80] =	vst v63  }
0x91: {  	_ =	swait.ge [sflag:s2], $0x2000  }
0x92: {  	[sflag:s2] =	ssyncset.done $0x0  }
0x93: {  	[sflag:s2] =	ssyncadd.s32 $0xFFFFE000  }
.Ltmp4:
0x94: {  	(pc) =	sbr.rel .LBB2_4-.Ltmp4, $3  }
0x95: {  	_ =	sdelay $0x1  }
0x96: {  	s5 =	sadd.s32 $0x300, s8;
	s7 =	sadd.s32 $0x800, s7  }
0x97: {  	[tilespmem:s24], [sflag:$0x3] =	stream.indirect.gather [hbm4b:s1+s20], $0x40, s5, s20, $0xb8;
	[tilespmem:$0x1ED80] =	vst v63  }
.LBB2_7:
0x98: {  	_ =	sfence.sel $0x180000  }
0x99: {  	[bflag:$0x0] =	sbarrier.arrive $0xFFFF  }
0x9a: {  	_ =	strace $0x90000047  }
0x9b: {  	s0 =	stileid.u32;
	[bflag:$0x2] =	sbarrier.arrive $0xFFFF  }
0x9c: {  	p0 =	sne.s32 s0, $0x0;
	s0 =	rddreg [dreg:$0x5]  }
0x9d: {  	s0 =	sadd.s32 @!p0 $0x100000, s0  }
0x9e: {  	[sflag:s0] =	ssyncadd.tile.s32 @!p0 $0x1;
	_ =	shalt  }
.Lfunc_end2:
_tile_overlayer_lowered:
.L_overlay_start_2:
0x9f: {  	(tag) =	ssettag $0x2  }
0xa0: {  	s0 =	rddreg [dreg:$0x0];
	s2 =	stileid.u32  }
0xa1: {  	s1 =	rddreg [dreg:$0x1];
	p0 =	sne.s32 s2, $0x0  }
0xa2: {  	s3 =	rddreg [dreg:$0x2];
	[bflag:$0x3] =	sbarrier.arrive $0xFFFF;
	s2 =	simm.s32 @!p0 $0x1C0B  }
0xa3: {  	[timem:s3], [sflag:s2] =	dma.local @!p0 [hbm:s0], s1  }
0xa4: {  	s0 =	simm.s32 @!p0 $0xB  }
0xa5: {  	_ =	swait.ge @!p0 [sflag:s0], s1  }
0xa6: {  	s1 =	ssub.s32 @!p0 $0x0, s1;
	[sflag:s0] =	ssyncset.done @!p0 $0x0  }
0xa7: {  	[sflag:s0] =	ssyncadd.s32 @!p0 s1  }
0xa8: {  	[bflag:$0x3] =	sbarrier.arrive $0xFFFF  }
0xa9: {  	_ =	shalt  }

// kernel: kernel.9.cloned.1.call-start
scs
__scs_entry_jumppad:
0x0: {  	(pc) =	sbr.rel $0x88, $3  }
0x1: {  	(tag) =	ssettag $0x0;
	lr =	simm.s32 $0x1  }
0x2: {  	[smem:$0x3F9B] =	sst lr;
	_ =	strace $0xD0000000  }
0x3: {  	_ = 	snop  }
0x4: {  	_ = 	snop  }
0x5: {  	_ = 	snop  }
0x6: {  	_ = 	snop  }
0x7: {  	_ = 	snop  }
__scs_overlays_trampoline_lowered:
0x8: {  	[smem:$0x3FAA] =	sst s0  }
0x9: {  	[smem:$0x3FAB] =	sst s1  }
0xa: {  	[smem:$0x3FAC] =	sst s2  }
0xb: {  	[smem:$0x3FAD] =	sst s3  }
0xc: {  	[smem:$0x3FAE] =	sst s4  }
0xd: {  	[smem:$0x3FAF] =	sst s5  }
0xe: {  	[smem:$0x3FB0] =	sst s6  }
0xf: {  	[smem:$0x3FB1] =	sst s7  }
0x10: {  	[smem:$0x3FB2] =	sst s8  }
0x11: {  	[smem:$0x3FB3] =	sst s9;
	s0 =	simm.s32 @!p0 $0x0  }
0x12: {  	s1 =	sld [smem:$0x3F99];
	s0 =	simm.s32 @p0 $0x1  }
0x13: {  	[smem:$0x3FB4] =	sst s0;
	s0 =	simm.s32 @!p1 $0x0  }
0x14: {  	s2 =	sld [smem:$0x3F98];
	s0 =	simm.s32 @p1 $0x1  }
0x15: {  	[smem:$0x3FB5] =	sst s0;
	s0 =	simm.s32 @!p2 $0x0  }
0x16: {  	s3 =	sld [smem:$0x3FDB];
	s0 =	simm.s32 @p2 $0x1  }
0x17: {  	s4 =	simm.s32 $0x1BF5;
	[smem:$0x3FB7] =	sst s0  }
0x18: {  	s0 =	sld [smem:$0x3F9A];
	_ =	swait.ge [sflag:s4], $0x0  }
0x19: {  	s7 =	sld [smem:$0x3F9B]  }
0x1a: {  	s8 =	sadd.s32 $0xFFFFE003, lr  }
0x1b: {  	s9 =	sadd.s32 $0xFFFFFEF7, lr;
	s5 =	simm.s32 $0xFFFFFFFF;
	p2 =	slt.u32 s8, $0xFFFFF086  }
0x1c: {  	p1 =	slt.u32 s9, $0xF7A;
	s5 =	simm.s32 @!p2 $0x0  }
0x1d: {  	s5 =	simm.s32 @p1 $0x1;
	p0 =	seq.s32 s7, s2  }
0x1e: {  	s7 =	smul.u32 @!p0 $0xF7A, s2;
	p2 =	seq.s32 @!p0 s5, $0x0  }
0x1f: {  	s9 =	smul.u32 $0xF7A, s1;
	s8 =	simm.s32 @!p0 $0x1BF5;
	p2 =	por !p2, p0  }
0x20: {  	[sflag:s8] =	ssyncset.s32 @!p0 $0xFFFFF086;
	s6 =	sadd.s32 @!p0 s3, s7;
	s7 =	simm.s32 @!p0 $0x108  }
0x21: {  	s3 =	sadd.s32 s3, s9;
	s6 =	sadd.s32 @!p0 $0x88, s6;
	s7 =	simm.s32 @p2 $0x1082  }
0x22: {  	[simem:s7], [sflag:s8] =	dma.local @!p0 [hbm:s6], $0xF7A  }
0x23: {  	s9 =	sor.u32 $0xD0000000, s2;
	s6 =	simm.s32 $0x108;
	_ =	swait.ge @!p0 [sflag:s8], $0x0  }
0x24: {  	s3 =	sadd.s32 $0x88, s3;
	s6 =	simm.s32 @!p1 $0x1082;
	[sflag:s4] =	ssyncset.s32 $0xFFFFF086  }
0x25: {  	[simem:s6], [sflag:s4] =	dma.local [hbm:s3], $0xF7A  }
0x26: {  	[smem:$0x3F9B] =	sst s1;
	(tag) =	ssettag s2;
	_ =	strace s9  }
0x27: {  	s1 =	sld [smem:$0x3FAB]  }
0x28: {  	s2 =	sld [smem:$0x3FAC]  }
0x29: {  	s4 =	sld [smem:$0x3FAE]  }
0x2a: {  	p0 =	seq.s32 s5, $0x0;
	s5 =	sld [smem:$0x3FAF]  }
0x2b: {  	s6 =	sld [smem:$0x3FB0]  }
0x2c: {  	s7 =	sld [smem:$0x3FB1]  }
0x2d: {  	s3 =	simm.s32 $0x108;
	s8 =	sld [smem:$0x3FB2]  }
0x2e: {  	s3 =	simm.s32 @!p0 $0x1082;
	s9 =	sld [smem:$0x3FB3]  }
0x2f: {  	lr =	sadd.s32 s0, s3;
	s0 =	sld [smem:$0x3FAA]  }
0x30: {  	s3 =	sld [smem:$0x3FAD]  }
0x31: {  	[smem:$0x3FB6] =	sst s10  }
0x32: {  	s10 =	sld [smem:$0x3FB4];
	_ =	sdelay $0x3  }
0x33: {  	p0 =	seq.s32 s10, $0x1;
	s10 =	sld [smem:$0x3FB6];
	_ =	sdelay $0x3  }
0x34: {  	[smem:$0x3FB6] =	sst s10  }
0x35: {  	s10 =	sld [smem:$0x3FB5];
	_ =	sdelay $0x3  }
0x36: {  	p1 =	seq.s32 s10, $0x1;
	s10 =	sld [smem:$0x3FB6];
	_ =	sdelay $0x3  }
0x37: {  	[smem:$0x3FB6] =	sst s10  }
0x38: {  	s10 =	sld [smem:$0x3FB7]  }
0x39: {  	_ = 	snop;
	(pc) =	sbr.ind lr, $3  }
0x3a: {  	_ = 	snop  }
0x3b: {  	_ = 	snop  }
0x3c: {  	p2 =	seq.s32 s10, $0x1;
	s10 =	sld [smem:$0x3FB6]  }
0x3d: {  	_ =	shalt  }
0x3e: {  	_ =	shalt  }
0x3f: {  	_ =	shalt  }
0x40: {  	_ =	shalt  }
0x41: {  	_ =	shalt  }
0x42: {  	_ =	shalt  }
0x43: {  	_ =	shalt  }
0x44: {  	_ =	shalt  }
0x45: {  	_ =	shalt  }
0x46: {  	_ =	shalt  }
0x47: {  	_ =	shalt  }
0x48: {  	_ =	shalt  }
0x49: {  	_ =	shalt  }
0x4a: {  	_ =	shalt  }
0x4b: {  	_ =	shalt  }
0x4c: {  	_ =	shalt  }
0x4d: {  	_ =	shalt  }
0x4e: {  	_ =	shalt  }
0x4f: {  	_ =	shalt  }
0x50: {  	_ =	shalt  }
0x51: {  	_ =	shalt  }
0x52: {  	_ =	shalt  }
0x53: {  	_ =	shalt  }
0x54: {  	_ =	shalt  }
0x55: {  	_ =	shalt  }
0x56: {  	_ =	shalt  }
0x57: {  	_ =	shalt  }
0x58: {  	_ =	shalt  }
0x59: {  	_ =	shalt  }
0x5a: {  	_ =	shalt  }
0x5b: {  	_ =	shalt  }
0x5c: {  	_ =	shalt  }
0x5d: {  	_ =	shalt  }
0x5e: {  	_ =	shalt  }
0x5f: {  	_ =	shalt  }
0x60: {  	_ =	shalt  }
0x61: {  	_ =	shalt  }
0x62: {  	_ =	shalt  }
0x63: {  	_ =	shalt  }
0x64: {  	_ =	shalt  }
0x65: {  	_ =	shalt  }
0x66: {  	_ =	shalt  }
0x67: {  	_ =	shalt  }
0x68: {  	_ =	shalt  }
0x69: {  	_ =	shalt  }
0x6a: {  	_ =	shalt  }
0x6b: {  	_ =	shalt  }
0x6c: {  	_ =	shalt  }
0x6d: {  	_ =	shalt  }
0x6e: {  	_ =	shalt  }
0x6f: {  	_ =	shalt  }
0x70: {  	_ =	shalt  }
0x71: {  	_ =	shalt  }
0x72: {  	_ =	shalt  }
0x73: {  	_ =	shalt  }
0x74: {  	_ =	shalt  }
0x75: {  	_ =	shalt  }
0x76: {  	_ =	shalt  }
0x77: {  	_ =	shalt  }
0x78: {  	_ =	shalt  }
0x79: {  	_ =	shalt  }
0x7a: {  	_ =	shalt  }
0x7b: {  	_ =	shalt  }
0x7c: {  	_ =	shalt  }
0x7d: {  	_ =	shalt  }
0x7e: {  	_ =	shalt  }
0x7f: {  	_ =	shalt  }
0x80: {  	_ =	shalt  }
0x81: {  	_ =	shalt  }
0x82: {  	_ =	shalt  }
0x83: {  	_ =	shalt  }
0x84: {  	_ =	shalt  }
0x85: {  	_ =	shalt  }
0x86: {  	_ =	shalt  }
0x87: {  	_ =	shalt  }
.Lfunc_end0:
.L_simem_size_0:
called_computation.1_lowered:
.L_overlay_start_0:
0x88: {  	s2 =	sld [smem:$0x3FD9]  }
0x89: {  	s3 =	sld [smem:$0x3FFE];
	_ =	sdelay $0x1  }
0x8a: {  	s1 =	srdreg.scid  }
0x8b: {  	s0 =	sand.u32 $0x1, s1  }
0x8c: {  	s17 =	sshll.u32 s0, $0xA;
	s2 =	sadd.s32 s3, s2  }
0x8d: {  	s2 =	sadd.s32 s2, s17  }
0x8e: {  	[smem:$0x3FC2] =	sst s2  }
0x8f: {  	_ = 	snop  }
0x90: {  	s2 =	sld [smem:$0x3FD0];
	(tm) =	ssettm $0x1  }
0x91: {  	s18 =	sld [smem:$0x3FFB];
	_ =	sdelay $0x3  }
0x92: {  	_ =	strace s18  }
0x93: {  	s3 =	sld [smem:$0x3FFC];
	_ =	sdelay $0x3  }
0x94: {  	_ =	strace s3  }
0x95: {  	s3 =	sld [smem:$0x3FFD];
	_ =	sdelay $0x3  }
0x96: {  	_ =	strace s3  }
0x97: {  	_ =	strace $0x8FFFFFFF  }
0x98: {  	s19 =	sld [smem:$0x3FDB];
	_ =	sdelay $0x1  }
0x99: {  	s4 =	simm.s32 $_scs_section_size  }
0x9a: {  	s5 =	simm.s32 $_size__tile_overlayer_lowered;
	s6 =	simm.s32 $_tile_overlayer_lowered  }
0x9b: {  	s22 =	simm.s32 $0x1BFF;
	s21 =	sshll.u32 s6, $0x1;
	s3 =	sadd.s32 s4, s19  }
0x9c: {  	s7 =	simm.s32 $0x0;
	s20 =	sshll.u32 s5, $0x1;
	s5 =	sadd.s32 s21, s3  }
0x9d: {  	[timem:s7], [sflag:s22] =	dma.local [hbm:s5], s20  }
0x9e: {  	_ =	swait.ge [sflag:s22], s20  }
0x9f: {  	s4 =	ssub.s32 $0x0, s20;
	[sflag:s22] =	ssyncset.done $0x0  }
0xa0: {  	[sflag:s22] =	ssyncadd.s32 s4;
	_ =	sdelay $0x1  }
0xa1: {  	s23 =	simm.s32 $0x1B8B  }
0xa2: {  	_ =	swait.ge [sflag:s23], $0x1  }
0xa3: {  	[sflag:s23] =	ssyncset.done $0x0  }
0xa4: {  	s25 =	simm.s32 $0x1B8E;
	s24 =	sld [smem:$0x3FFE];
	[sflag:s23] =	ssyncadd.s32 $0xFFFFFFFF  }
0xa5: {  	s26 =	simm.s32 $execute0_lowered;
	[smem:$0x3FD2] =	sst s25  }
0xa6: {  	s5 =	sshll.u32 s26, $0x1;
	_ =	strace $0x80000049;
	[dreg:$0x1] =	wrdreg $0xFFFFFFFF  }
0xa7: {  	s28 =	simm.s32 $_size_execute0_lowered;
	s3 =	sadd.s32 s3, s5;
	[dreg:$0x0] =	wrdreg $0x0  }
0xa8: {  	s5 =	sshll.u32 s28, $0x1;
	[dreg:$0x2] =	wrdreg s3  }
0xa9: {  	[dreg:$0x3] =	wrdreg s5  }
0xaa: {  	[dreg:$0x4] =	wrdreg $0xC0  }
0xab: {  	_ =	task [dreg:s7], $0x5FFFF  }
0xac: {  	[dreg:$0x1] =	wrdreg $0xFFFFFFFF  }
0xad: {  	[dreg:$0x0] =	wrdreg $0x60  }
0xae: {  	[dreg:$0x2] =	wrdreg s2  }
0xaf: {  	[dreg:$0x3] =	wrdreg s24  }
0xb0: {  	[dreg:$0x4] =	wrdreg $0xD0000  }
0xb1: {  	[dreg:$0x5] =	wrdreg $0x9  }
0xb2: {  	_ =	task.clear_ibuf [dreg:s7], $0x6FFFF;
	_ =	strace $0x90000049  }
0xb3: {  	s29 =	simm.s32 $0x9;
	_ =	strace $0x8000004B  }
0xb4: {  	_ =	swait.ge [sflag:s29], $0x1  }
0xb5: {  	[sflag:s29] =	ssyncadd.s32 $0xFFFFFFFF  }
0xb6: {  	_ =	strace $0x9000004B  }
0xb7: {  	_ =	sfence  }
0xb8: {  	s30 =	sld [smem:$0x0];
	_ =	sdelay $0x2  }
0xb9: {  	s31 =	sshll.u32 s1, $0xD;
	s1 =	sshrl.u32 s1, $0x2  }
0xba: {  	s3 =	sand.u32 $0x4000, s31;
	s1 =	sadd.s32 s1, s30  }
0xbb: {  	s0 =	sor.u32 s3, s0;
	s1 =	sshll.u32 s1, $0x11  }
0xbc: {  	s0 =	sor.u32 s1, s0  }
0xbd: {  	s0 =	sadd.s32 $0x8F2B, s0  }
0xbe: {  	[sflag:s0] =	ssyncadd.remote.s32 $0x1  }
0xbf: {  	_ =	sfence.sel $0xFFFF  }
0xc0: {  	[dreg:$0x0] =	wrdreg $0xFFFFFFFF;
	(pc) =	sbr.abs _section_cstart, $3  }
0xc1: {  	[dreg:$0x1] =	wrdreg $0xFFFFFFFF  }
0xc2: {  	_ =	task.clear_ibuf [dreg:s7], $0x2FFFF;
	_ =	strace $0x9FFFFFFF  }
0xc3: {  	(tm) =	ssettm $0x7FFFFFFF  }
tec
execute0_lowered:
.L_overlay_start_1:
0x0: {  	(tag) =	ssettag $0x1  }
0x1: {  	s1 =	rddreg [dreg:$0x0]  }
0x2: {  	s0 =	rddreg [dreg:$0x1]  }
0x3: {  	s3 =	rddreg [dreg:$0x2]  }
0x4: {  	s2 =	srdreg.scid;
	s9 =	stileid.u32;
	s4 =	simm.s32 $0x0  }
0x5: {  	s12 =	simm.s32 $0x9;
	s13 =	simm.s32 $0x2800;
	s14 =	simm.s32 $0x80  }
0x6: {  	s15 =	simm.s32 $0x5000;
	s16 =	simm.s32 $0x7000;
	s18 =	simm.s32 $0x9000  }
0x7: {  	s19 =	simm.s32 $0x1;
	s21 =	simm.s32 $0xB000;
	s22 =	simm.s32 $0x2  }
0x8: {  	s24 =	simm.s32 $0x5;
	s29 =	simm.s32 $0x6;
	s31 =	simm.s32 $0x4  }
0x9: {  	s20 =	simm.s32 $0x8;
	s23 =	simm.s32 $0x0;
	s2 =	sand.u32 $0x1, s2  }
0xa: {  	s5 =	sshll.u32 s9, $0x1;
	s6 =	smul.u32 $0x9E00, s9;
	[smem:$0x7FF] =	sst s4  }
0xb: {  	s26 =	sadd.s32 $0x16000, s0;
	s30 =	sshll.u32 s9, $0x6;
	s5 =	sor.u32 s2, s5  }
0xc: {  	s7 =	smul.u32 $0x9E000, s2;
	_ =	strace $0x8000004A;
	s2 =	ssub.s32 $0x2, s2  }
0xd: {  	[dreg:$0x4] =	wrdreg s26;
	s26 =	simm.s32 $0x3;
	s5 =	smul.u32 $0x500, s5  }
.Ltmp0:
0xe: {  	s28 =	sshrl.u32 s2, $0x1;
	s11 =	sadd.s32 s6, s3;
	(pc) =	sbr.rel .LBB2_1-.Ltmp0, $4  }
0xf: {  	s7 =	sadd.s32 s6, s7;
	s2 =	ssub.s32 s2, s28;
	s6 =	sor.u32 $0x1C09, s30  }
0x10: {  	s11 =	sshrl.u32 s11, $0x3;
	s8 =	sadd.s32 s5, s0;
	s7 =	sshrl.u32 s7, $0x3  }
0x11: {  	s10 =	smax.u32 s2, $0x1;
	s2 =	simm.s32 $0x7;
	s0 =	sadd.s32 s7, s0  }
0x12: {  	s7 =	sadd.s32 $0x1800, s8;
	s8 =	sadd.s32 $0xB800, s8;
	s9 =	sadd.s32 $0x17400, s0  }
.LBB2_4:
0x13: {  	_ =	swait.ge [sflag:s20], $0x2000  }
0x14: {  	s23 =	sadd.s32 $0x1, s23;
	[sflag:s20] =	ssyncset.done $0x0  }
0x15: {  	p0 =	sne.s32 s23, s10;
	[sflag:s20] =	ssyncadd.s32 $0xFFFFE000  }
.Ltmp1:
0x16: {  	[bflag:$0x0] =	sbarrier.arrive $0xFFFF;
	(pc) =	sbr.rel @!p0 .LBB2_5-.Ltmp1, $4  }
0x17: {  	[hbm:s9], [sflag:s6] =	dma.local [spmem:s11], $0x13C0  }
0x18: {  	_ =	swait.ge [sflag:s12], $0x13C0  }
0x19: {  	[sflag:s12] =	ssyncset.done $0x0  }
0x1a: {  	[sflag:s12] =	ssyncadd.s32 $0xFFFFEC40  }
.LBB2_1:
0x1b: {  	s0 =	rddreg [dreg:$0x4]  }
0x1c: {  	[spmem:s11], [sflag:s6] =	dma.local [hbm:s0], $0x13C0  }
0x1d: {  	_ =	swait.ge [sflag:s12], $0x13C0  }
0x1e: {  	[sflag:s12] =	ssyncset.done $0x0  }
0x1f: {  	[sflag:s12] =	ssyncadd.s32 $0xFFFFEC40  }
0x20: {  	[tilespmem:s4], [sflag:$0x9] =	stream.linear.gather [hbm4b:s7+s4], $0x2800, $0x38;
	[tilespmem:$0x16E00] =	vst v63  }
0x21: {  	_ =	swait.ge [sflag:s12], $0x2800  }
0x22: {  	[sflag:s12] =	ssyncset.done $0x0  }
0x23: {  	[sflag:s12] =	ssyncadd.s32 $0xFFFFD800  }
0x24: {  	[tilespmem:s13], [sflag:$0x9] =	stream.linear.gather [hbm4b:s8+s4], $0x2800, $0x38;
	[tilespmem:$0x16E00] =	vst v63  }
0x25: {  	_ =	swait.ge [sflag:s12], $0x2800  }
0x26: {  	[sflag:s12] =	ssyncset.done $0x0  }
0x27: {  	[sflag:s12] =	ssyncadd.s32 $0xFFFFD800  }
0x28: {  	[bflag:$0x0] =	sbarrier.arrive $0xFFFF  }
0x29: {  	[tilespmem:s15], [sflag:$0x1] =	stream.indirect.gather [hbm4b:s1+s14], $0x40, s4, s14, $0xb8;
	[tilespmem:$0x16E00] =	vst v63  }
0x2a: {  	_ = 	snop  }
0x2b: {  	[tilespmem:s16], [sflag:$0x2] =	stream.indirect.gather [hbm4b:s1+s14], $0x40, s14, s14, $0xb8;
	[tilespmem:$0x16E00] =	vst v63  }
0x2c: {  	s25 =	simm.s32 $0x100  }
0x2d: {  	[tilespmem:s18], [sflag:$0x3] =	stream.indirect.gather [hbm4b:s1+s14], $0x40, s25, s14, $0xb8;
	[tilespmem:$0x16E00] =	vst v63  }
0x2e: {  	_ =	swait.ge [sflag:s19], $0x2000  }
0x2f: {  	[sflag:s19] =	ssyncset.done $0x0  }
0x30: {  	[sflag:s19] =	ssyncadd.s32 $0xFFFFE000  }
0x31: {  	[spmem:s3] =	stream.indirect.scatter.add.f32 [tilespmem:s15], [sflag:$0x5], $0x40, s13, s14, $0xb8;
	[tilespmem:$0x16E00] =	vst v63  }
0x32: {  	s28 =	simm.s32 $0x180  }
0x33: {  	[tilespmem:s21], [sflag:$0x4] =	stream.indirect.gather [hbm4b:s1+s14], $0x40, s28, s14, $0xb8;
	[tilespmem:$0x16E00] =	vst v63  }
0x34: {  	_ =	swait.ge [sflag:s22], $0x2000  }
0x35: {  	[sflag:s22] =	ssyncset.done $0x0  }
0x36: {  	s30 =	simm.s32 $0x2880;
	[sflag:s22] =	ssyncadd.s32 $0xFFFFE000  }
0x37: {  	[spmem:s3] =	stream.indirect.scatter.add.f32 [tilespmem:s16], [sflag:$0x6], $0x40, s30, s14, $0xb8;
	[tilespmem:$0x16E00] =	vst v63  }
0x38: {  	_ =	swait.ge [sflag:s24], $0x2000  }
0x39: {  	[sflag:s24] =	ssyncset.done $0x0  }
0x3a: {  	s5 =	simm.s32 $0x200;
	[sflag:s24] =	ssyncadd.s32 $0xFFFFE000  }
0x3b: {  	[tilespmem:s15], [sflag:$0x1] =	stream.indirect.gather [hbm4b:s1+s14], $0x40, s5, s14, $0xb8;
	[tilespmem:$0x16E00] =	vst v63  }
0x3c: {  	_ =	swait.ge [sflag:s26], $0x2000  }
0x3d: {  	[sflag:s26] =	ssyncset.done $0x0  }
0x3e: {  	s17 =	simm.s32 $0x2900;
	[sflag:s26] =	ssyncadd.s32 $0xFFFFE000  }
0x3f: {  	[spmem:s3] =	stream.indirect.scatter.add.f32 [tilespmem:s18], [sflag:$0x7], $0x40, s17, s14, $0xb8;
	[tilespmem:$0x16E00] =	vst v63  }
0x40: {  	_ =	swait.ge [sflag:s29], $0x2000  }
0x41: {  	[sflag:s29] =	ssyncset.done $0x0  }
0x42: {  	s25 =	simm.s32 $0x280;
	[sflag:s29] =	ssyncadd.s32 $0xFFFFE000  }
0x43: {  	[tilespmem:s16], [sflag:$0x2] =	stream.indirect.gather [hbm4b:s1+s14], $0x40, s25, s14, $0xb8;
	[tilespmem:$0x16E00] =	vst v63  }
0x44: {  	_ =	swait.ge [sflag:s31], $0x2000  }
0x45: {  	[sflag:s31] =	ssyncset.done $0x0  }
0x46: {  	s28 =	simm.s32 $0x2980;
	[sflag:s31] =	ssyncadd.s32 $0xFFFFE000  }
0x47: {  	[spmem:s3] =	stream.indirect.scatter.add.f32 [tilespmem:s21], [sflag:$0x8], $0x40, s28, s14, $0xb8;
	[tilespmem:$0x16E00] =	vst v63  }
0x48: {  	_ =	swait.ge [sflag:s2], $0x2000  }
0x49: {  	[sflag:s2] =	ssyncset.done $0x0  }
0x4a: {  	s30 =	simm.s32 $0x300;
	s25 =	simm.s32 $0x0;
	[sflag:s2] =	ssyncadd.s32 $0xFFFFE000  }
0x4b: {  	[tilespmem:s18], [sflag:$0x3] =	stream.indirect.gather [hbm4b:s1+s14], $0x40, s30, s14, $0xb8;
	[tilespmem:$0x16E00] =	vst v63  }
.LBB2_2:
0x4c: {  	_ =	swait.ge [sflag:s19], $0x2000  }
0x4d: {  	s28 =	sshra.s32 s25, $0x2;
	[sflag:s19] =	ssyncset.done $0x0  }
0x4e: {  	s30 =	sadd.s32 $0x2A00, s28;
	[sflag:s19] =	ssyncadd.s32 $0xFFFFE000  }
0x4f: {  	[spmem:s3] =	stream.indirect.scatter.add.f32 [tilespmem:s15], [sflag:$0x5], $0x40, s30, s14, $0xb8;
	[tilespmem:$0x16E00] =	vst v63  }
0x50: {  	_ =	swait.ge [sflag:s20], $0x2000  }
0x51: {  	[sflag:s20] =	ssyncset.done $0x0  }
0x52: {  	s5 =	sadd.s32 $0x380, s28;
	[sflag:s20] =	ssyncadd.s32 $0xFFFFE000  }
0x53: {  	[tilespmem:s21], [sflag:$0x4] =	stream.indirect.gather [hbm4b:s1+s14], $0x40, s5, s14, $0xb8;
	[tilespmem:$0x16E00] =	vst v63  }
0x54: {  	_ =	swait.ge [sflag:s22], $0x2000  }
0x55: {  	[sflag:s22] =	ssyncset.done $0x0  }
0x56: {  	s17 =	sadd.s32 $0x2A80, s28;
	[sflag:s22] =	ssyncadd.s32 $0xFFFFE000  }
0x57: {  	[spmem:s3] =	stream.indirect.scatter.add.f32 [tilespmem:s16], [sflag:$0x6], $0x40, s17, s14, $0xb8;
	[tilespmem:$0x16E00] =	vst v63  }
0x58: {  	_ =	swait.ge [sflag:s24], $0x2000  }
0x59: {  	p0 =	seq.s32 s25, $0x9000;
	[sflag:s24] =	ssyncset.done $0x0  }
0x5a: {  	s30 =	simm.s32 @p0 $0x3;
	[sflag:s24] =	ssyncadd.s32 $0xFFFFE000  }
0x5b: {  	_ =	swait.ge @p0 [sflag:s30], $0x2000  }
0x5c: {  	[sflag:s30] =	ssyncset.done @p0 $0x0  }
0x5d: {  	[sflag:s30] =	ssyncadd.s32 @p0 $0xFFFFE000;
	s30 =	sshra.s32 @p0 s25, $0x2  }
0x5e: {  	s0 =	simm.s32 @p0 $0x80;
	s17 =	simm.s32 @p0 $0x9000;
	s30 =	sadd.s32 @p0 $0x2B00, s30  }
0x5f: {  	[spmem:s3] =	stream.indirect.scatter.add.f32 @p0 [tilespmem:s17], [sflag:$0x7], $0x40, s30, s0, $0xb8;
	[tilespmem:$0x16E00] =	vst v63  }
0x60: {  	s0 =	simm.s32 @p0 $0x6  }
0x61: {  	_ =	swait.ge @p0 [sflag:s0], $0x2000  }
0x62: {  	[sflag:s0] =	ssyncset.done @p0 $0x0  }
0x63: {  	[sflag:s0] =	ssyncadd.s32 @p0 $0xFFFFE000;
	s0 =	sshra.s32 @!p0 s25, $0x2  }
0x64: {  	s5 =	simm.s32 @!p0 $0x5000;
	s30 =	simm.s32 @!p0 $0x80;
	s17 =	sadd.s32 @!p0 $0x400, s0  }
0x65: {  	[tilespmem:s5], [sflag:$0x1] =	stream.indirect.gather @!p0 [hbm4b:s1+s30], $0x40, s17, s30, $0xb8;
	[tilespmem:$0x16E00] =	vst v63  }
0x66: {  	s5 =	simm.s32 @!p0 $0x3  }
0x67: {  	_ =	swait.ge @!p0 [sflag:s5], $0x2000  }
0x68: {  	[sflag:s5] =	ssyncset.done @!p0 $0x0  }
0x69: {  	s17 =	simm.s32 @!p0 $0x9000;
	[sflag:s5] =	ssyncadd.s32 @!p0 $0xFFFFE000;
	s5 =	sadd.s32 @!p0 $0x2B00, s0  }
0x6a: {  	[spmem:s3] =	stream.indirect.scatter.add.f32 @!p0 [tilespmem:s17], [sflag:$0x7], $0x40, s5, s30, $0xb8;
	[tilespmem:$0x16E00] =	vst v63  }
0x6b: {  	s5 =	simm.s32 @!p0 $0x6  }
0x6c: {  	_ =	swait.ge @!p0 [sflag:s5], $0x2000  }
0x6d: {  	[sflag:s5] =	ssyncset.done @!p0 $0x0  }
0x6e: {  	s0 =	sadd.s32 @!p0 $0x480, s0;
	[sflag:s5] =	ssyncadd.s32 @!p0 $0xFFFFE000;
	s5 =	simm.s32 @!p0 $0x7000  }
0x6f: {  	[tilespmem:s5], [sflag:$0x2] =	stream.indirect.gather @!p0 [hbm4b:s1+s30], $0x40, s0, s30, $0xb8;
	[tilespmem:$0x16E00] =	vst v63  }
0x70: {  	_ =	swait.ge [sflag:s31], $0x2000  }
0x71: {  	[sflag:s31] =	ssyncset.done $0x0  }
.Ltmp2:
0x72: {  	s30 =	sadd.s32 $0x2B80, s28;
	[sflag:s31] =	ssyncadd.s32 $0xFFFFE000;
	(pc) =	sbr.rel @p0 .LBB2_4-.Ltmp2, $4  }
0x73: {  	[spmem:s3] =	stream.indirect.scatter.add.f32 [tilespmem:s21], [sflag:$0x8], $0x40, s30, s14, $0xb8;
	[tilespmem:$0x16E00] =	vst v63  }
0x74: {  	_ =	swait.ge [sflag:s2], $0x2000  }
0x75: {  	[sflag:s2] =	ssyncset.done $0x0  }
0x76: {  	[sflag:s2] =	ssyncadd.s32 $0xFFFFE000  }
.Ltmp3:
0x77: {  	(pc) =	sbr.rel .LBB2_2-.Ltmp3, $3  }
0x78: {  	_ =	sdelay $0x1  }
0x79: {  	s0 =	sadd.s32 $0x500, s28;
	s25 =	sadd.s32 $0x800, s25  }
0x7a: {  	[tilespmem:s18], [sflag:$0x3] =	stream.indirect.gather [hbm4b:s1+s14], $0x40, s0, s14, $0xb8;
	[tilespmem:$0x16E00] =	vst v63  }
.LBB2_5:
0x7b: {  	_ =	sfence.sel $0x180000  }
0x7c: {  	[bflag:$0x0] =	sbarrier.arrive $0xFFFF  }
0x7d: {  	_ =	strace $0x9000004A  }
0x7e: {  	s0 =	stileid.u32;
	[bflag:$0x2] =	sbarrier.arrive $0xFFFF  }
0x7f: {  	p0 =	sne.s32 s0, $0x0;
	s0 =	rddreg [dreg:$0x3]  }
0x80: {  	s0 =	sadd.s32 @!p0 $0x100000, s0  }
0x81: {  	[sflag:s0] =	ssyncadd.tile.s32 @!p0 $0x1;
	_ =	shalt  }
.Lfunc_end2:
_tile_overlayer_lowered:
.L_overlay_start_2:
0x82: {  	(tag) =	ssettag $0x2  }
0x83: {  	s0 =	rddreg [dreg:$0x0];
	s2 =	stileid.u32  }
0x84: {  	s1 =	rddreg [dreg:$0x1];
	p0 =	sne.s32 s2, $0x0  }
0x85: {  	s3 =	rddreg [dreg:$0x2];
	[bflag:$0x3] =	sbarrier.arrive $0xFFFF;
	s2 =	simm.s32 @!p0 $0x1C09  }
0x86: {  	[timem:s3], [sflag:s2] =	dma.local @!p0 [hbm:s0], s1  }
0x87: {  	s0 =	simm.s32 @!p0 $0x9  }
0x88: {  	_ =	swait.ge @!p0 [sflag:s0], s1  }
0x89: {  	s1 =	ssub.s32 @!p0 $0x0, s1;
	[sflag:s0] =	ssyncset.done @!p0 $0x0  }
0x8a: {  	[sflag:s0] =	ssyncadd.s32 @!p0 s1  }
0x8b: {  	[bflag:$0x3] =	sbarrier.arrive $0xFFFF  }
0x8c: {  	_ =	shalt  }

</sc_bundles>
